<compile_context>
chip_gen: v7x
topology: tpu7x:2x2x1
jax: 0.10.2.dev20260603
libtpu: 0.0.44.dev20260713+nightly
codegen_flags: <defaults>
</compile_context>

<pallas_src>
import functools

import jax
import jax.numpy as jnp
from jax import lax
from jax.experimental import pallas as pl
from jax.experimental.pallas import tpu as pltpu
from jax.experimental.pallas import tpu_sc as plsc

_A = 20000
_TOP_N = 200
_IOU_THR = 0.7
_LANES = 128

_A_PAD = 20480
_ROWS = _A_PAD // _LANES
_KCAP = 208
_L1N = _A_PAD // 16
_L2N = _L1N // 16
_BIG = 1 << 30
_NEG_INF = float("-inf")



def _decode_body(a_valid, cls_ref, reg_ref, anch_ref,
                 sc_ref, y0_ref, x0_ref, y1_ref, x1_ref):
    row_iota = lax.broadcasted_iota(jnp.int32, (_ROWS, _LANES), 0)
    col_iota = lax.broadcasted_iota(jnp.int32, (_ROWS, _LANES), 1)
    valid = (row_iota * _LANES + col_iota) < a_valid

    scores = jax.nn.sigmoid(cls_ref[0])
    sc_ref[0] = jnp.where(valid, scores, _NEG_INF)

    aymin = anch_ref[0]
    axmin = anch_ref[1]
    aymax = anch_ref[2]
    axmax = anch_ref[3]
    ah = aymax - aymin
    aw = axmax - axmin
    acy = aymin + 0.5 * ah
    acx = axmin + 0.5 * aw
    dy = reg_ref[0, 0]
    dx = reg_ref[0, 1]
    dh = reg_ref[0, 2]
    dw = reg_ref[0, 3]
    pcy = dy * ah + acy
    pcx = dx * aw + acx
    ph = jnp.exp(dh) * ah
    pw = jnp.exp(dw) * aw
    y0_ref[0] = jnp.clip(pcy - 0.5 * ph, 0.0, 1.0)
    x0_ref[0] = jnp.clip(pcx - 0.5 * pw, 0.0, 1.0)
    y1_ref[0] = jnp.clip(pcy + 0.5 * ph, 0.0, 1.0)
    x1_ref[0] = jnp.clip(pcx + 0.5 * pw, 0.0, 1.0)


def _decode_tc(rpn_cls, rpn_reg, anchors, b, a_valid, interpret=False):
    pad = _A_PAD - a_valid
    cls_p = jnp.pad(rpn_cls[..., 0], ((0, 0), (0, pad))).reshape(
        b, _ROWS, _LANES)
    reg_p = jnp.pad(jnp.transpose(rpn_reg, (0, 2, 1)),
                    ((0, 0), (0, 0), (0, pad))).reshape(b, 4, _ROWS, _LANES)
    anch_p = jnp.pad(jnp.transpose(anchors, (1, 0)),
                     ((0, 0), (0, pad))).reshape(4, _ROWS, _LANES)

    plane = jax.ShapeDtypeStruct((b, _ROWS, _LANES), jnp.float32)
    outs = pl.pallas_call(
        functools.partial(_decode_body, a_valid),
        grid=(b,),
        in_specs=[
            pl.BlockSpec((1, _ROWS, _LANES), lambda i: (i, 0, 0)),
            pl.BlockSpec((1, 4, _ROWS, _LANES), lambda i: (i, 0, 0, 0)),
            pl.BlockSpec((4, _ROWS, _LANES), lambda i: (0, 0, 0)),
        ],
        out_specs=[pl.BlockSpec((1, _ROWS, _LANES), lambda i: (i, 0, 0))] * 5,
        out_shape=[plane] * 5,
        interpret=interpret,
    )(cls_p, reg_p, anch_p)
    return [o.reshape(b, _A_PAD) for o in outs]



def _axis_ids():
    return lax.axis_index("c"), lax.axis_index("s")


def _store1(ref, pos, val):
    plsc.store_scatter(ref, [jnp.full((16,), pos, jnp.int32)],
                       jnp.full((16,), val, jnp.float32),
                       mask=lax.iota(jnp.int32, 16) == 0)


def _sc_nms_body(top_n, iou_thr, n_samples,
                 sc_hbm, y0_hbm, x0_hbm, y1_hbm, x1_hbm, out_hbm,
                 sc_v, y0_v, x0_v, y1_v, x1_v, l1_v, l2_v,
                 ky0_v, kx0_v, ky1_v, kx1_v, kar_v, sem_a, sem_b):
    c, s = _axis_ids()
    n_cores = 2
    per_core = n_samples // n_cores

    @pl.when(s < per_core)
    def _work():
        samp = c * per_core + s
        h_sc = pltpu.async_copy(sc_hbm.at[samp], sc_v, sem_a)
        h_y0 = pltpu.async_copy(y0_hbm.at[samp], y0_v, sem_b)
        h_x0 = pltpu.async_copy(x0_hbm.at[samp], x0_v, sem_b)
        h_y1 = pltpu.async_copy(y1_hbm.at[samp], y1_v, sem_b)
        h_x1 = pltpu.async_copy(x1_hbm.at[samp], x1_v, sem_b)

        iota = lax.iota(jnp.int32, 16)
        zeros16 = jnp.zeros((16,), jnp.float32)

        for j in range(_KCAP // 16):
            ky0_v[pl.ds(j * 16, 16)] = zeros16
            kx0_v[pl.ds(j * 16, 16)] = zeros16
            ky1_v[pl.ds(j * 16, 16)] = zeros16
            kx1_v[pl.ds(j * 16, 16)] = zeros16
            kar_v[pl.ds(j * 16, 16)] = zeros16

        h_sc.wait()

        def l1_build(i, _):
            for u in range(4):
                ch = sc_v[pl.ds((i * 4 + u) * 16, 16)]
                _store1(l1_v, i * 4 + u, jnp.max(ch))
            return 0
        lax.fori_loop(0, _L1N // 4, l1_build, 0)

        def l2_build(i, _):
            for u in range(4):
                ch = l1_v[pl.ds((i * 4 + u) * 16, 16)]
                _store1(l2_v, i * 4 + u, jnp.max(ch))
            return 0
        lax.fori_loop(0, _L2N // 4, l2_build, 0)

        h_y0.wait()
        h_x0.wait()
        h_y1.wait()
        h_x1.wait()

        def wcond(state):
            kn, alive = state
            return (kn < top_n) & (alive > 0)

        def wbody(state):
            kn, alive = state

            l2chunks = [l2_v[pl.ds(k * 16, 16)] for k in range(_L2N // 16)]
            vmax = l2chunks[0]
            for ch in l2chunks[1:]:
                vmax = jnp.maximum(vmax, ch)
            m = jnp.max(vmax)

            cand = jnp.where(l2chunks[0] == m, iota, _BIG)
            for k, ch in enumerate(l2chunks[1:]):
                cand = jnp.minimum(
                    cand, jnp.where(ch == m, (k + 1) * 16 + iota, _BIG))
            p2 = jnp.min(cand)

            ch1 = l1_v[pl.ds(p2 * 16, 16)]
            f1 = plsc.all_reduce_ffs(ch1 == m)
            p1 = p2 * 16 + f1[0]

            ch0 = sc_v[pl.ds(p1 * 16, 16)]
            f0 = plsc.all_reduce_ffs(ch0 == m)
            hit0 = iota == f0

            live = m > _NEG_INF

            ch0n = jnp.where(hit0, _NEG_INF, ch0)
            sc_v[pl.ds(p1 * 16, 16)] = ch0n
            m1 = jnp.max(ch0n)
            _store1(l1_v, p1, m1)
            ch1n = jnp.where(iota == f1, m1, ch1)
            _store1(l2_v, p2, jnp.max(ch1n))

            pvec = p1 * 16 + f0
            cy0 = plsc.load_gather(y0_v, [pvec])
            cx0 = plsc.load_gather(x0_v, [pvec])
            cy1 = plsc.load_gather(y1_v, [pvec])
            cx1 = plsc.load_gather(x1_v, [pvec])
            car = (cy1 - cy0) * (cx1 - cx0)

            nkc = (kn + 15) // 16

            def ibody(j, sup):
                a0 = ky0_v[pl.ds(j * 16, 16)]
                b0 = kx0_v[pl.ds(j * 16, 16)]
                a1 = ky1_v[pl.ds(j * 16, 16)]
                b1 = kx1_v[pl.ds(j * 16, 16)]
                ar = kar_v[pl.ds(j * 16, 16)]
                yi0 = jnp.maximum(cy0, a0)
                xi0 = jnp.maximum(cx0, b0)
                yi1 = jnp.minimum(cy1, a1)
                xi1 = jnp.minimum(cx1, b1)
                inter = (jnp.maximum(yi1 - yi0, 0.0)
                         * jnp.maximum(xi1 - xi0, 0.0))
                iou = inter / (car + ar - inter + 1e-8)
                return sup | (iou > iou_thr).astype(jnp.int32)

            sup = lax.fori_loop(0, nkc, ibody, jnp.zeros((16,), jnp.int32))
            nsup = plsc.all_reduce_population_count(sup > 0)
            keep = live & (nsup[0] == 0)

            @pl.when(keep)
            def _append():
                _store1(ky0_v, kn, cy0[0])
                _store1(kx0_v, kn, cx0[0])
                _store1(ky1_v, kn, cy1[0])
                _store1(kx1_v, kn, cx1[0])
                _store1(kar_v, kn, car[0])

            kn = kn + jnp.where(keep, jnp.int32(1), jnp.int32(0))
            return (kn, jnp.where(live, jnp.int32(1), jnp.int32(0)))

        kn, _ = lax.while_loop(wcond, wbody,
                               (jnp.int32(0), jnp.int32(1)))

        b0y0 = jnp.full((16,), y0_v[pl.ds(0, 16)][0], jnp.float32)
        b0x0 = jnp.full((16,), x0_v[pl.ds(0, 16)][0], jnp.float32)
        b0y1 = jnp.full((16,), y1_v[pl.ds(0, 16)][0], jnp.float32)
        b0x1 = jnp.full((16,), x1_v[pl.ds(0, 16)][0], jnp.float32)
        for j in range(_KCAP // 16):
            kidx = j * 16 + iota
            mask = kidx >= kn
            ky0_v[pl.ds(j * 16, 16)] = jnp.where(
                mask, b0y0, ky0_v[pl.ds(j * 16, 16)])
            kx0_v[pl.ds(j * 16, 16)] = jnp.where(
                mask, b0x0, kx0_v[pl.ds(j * 16, 16)])
            ky1_v[pl.ds(j * 16, 16)] = jnp.where(
                mask, b0y1, ky1_v[pl.ds(j * 16, 16)])
            kx1_v[pl.ds(j * 16, 16)] = jnp.where(
                mask, b0x1, kx1_v[pl.ds(j * 16, 16)])

        pltpu.sync_copy(ky0_v, out_hbm.at[samp, 0])
        pltpu.sync_copy(kx0_v, out_hbm.at[samp, 1])
        pltpu.sync_copy(ky1_v, out_hbm.at[samp, 2])
        pltpu.sync_copy(kx1_v, out_hbm.at[samp, 3])


def _sc_nms(scores, y0, x0, y1, x1, b, top_n, iou_thr, interpret=False):
    mesh = plsc.VectorSubcoreMesh(core_axis_name="c", subcore_axis_name="s",
                                  num_cores=2, num_subcores=16)
    fn = pl.kernel(
        functools.partial(_sc_nms_body, top_n, iou_thr, b),
        out_type=jax.ShapeDtypeStruct((b, 4, _KCAP), jnp.float32),
        mesh=mesh,
        scratch_types=[
            pltpu.VMEM((_A_PAD,), jnp.float32),
            pltpu.VMEM((_A_PAD,), jnp.float32),
            pltpu.VMEM((_A_PAD,), jnp.float32),
            pltpu.VMEM((_A_PAD,), jnp.float32),
            pltpu.VMEM((_A_PAD,), jnp.float32),
            pltpu.VMEM((_L1N,), jnp.float32),
            pltpu.VMEM((_L2N,), jnp.float32),
            pltpu.VMEM((_KCAP,), jnp.float32),
            pltpu.VMEM((_KCAP,), jnp.float32),
            pltpu.VMEM((_KCAP,), jnp.float32),
            pltpu.VMEM((_KCAP,), jnp.float32),
            pltpu.VMEM((_KCAP,), jnp.float32),
            pltpu.SemaphoreType.DMA,
            pltpu.SemaphoreType.DMA,
        ],
        compiler_params=pltpu.CompilerParams(needs_layout_passes=False),
        interpret=interpret,
    )
    return fn(scores, y0, x0, y1, x1)


def _proposal(rpn_cls, rpn_reg, anchors, top_n, iou_thr, interpret=False):
    b = rpn_cls.shape[0]
    a = rpn_cls.shape[1]
    scores, y0, x0, y1, x1 = _decode_tc(rpn_cls, rpn_reg, anchors, b, a,
                                        interpret=interpret)
    out = _sc_nms(scores, y0, x0, y1, x1, b, top_n, iou_thr,
                  interpret=interpret)
    proposals = jnp.transpose(out, (0, 2, 1))[:, :top_n, :].reshape(
        b * top_n, 4)
    indices = jnp.zeros((b * top_n,), jnp.int32)
    return proposals, indices


def kernel(rpn_cls, rpn_reg, anchors):
    return _proposal(rpn_cls, rpn_reg, anchors, _TOP_N, _IOU_THR)

# --- scband reference (transcript-rebuilt; emitter-appended) ---
"""Pipeline reference for scband-proposal-layer-91087666413893 (READ-ONLY COPY).

The authoritative reference and input builder live on the scoring server;
editing this copy changes nothing except your own understanding.
"""

import jax, jax.numpy as jnp
import numpy as np

B = 8
A = 20000
TOP_N = 200
IOU_THR = 0.7

def decode_boxes(anchors, deltas):
    ymin, xmin, ymax, xmax = jnp.split(anchors, 4, axis=-1)
    anchor_h = ymax - ymin
    anchor_w = xmax - xmin
    anchor_cy = ymin + 0.5 * anchor_h
    anchor_cx = xmin + 0.5 * anchor_w
    dy, dx, dh, dw = jnp.split(deltas, 4, axis=-1)
    pred_cy = dy * anchor_h + anchor_cy
    pred_cx = dx * anchor_w + anchor_cx
    pred_h = jnp.exp(dh) * anchor_h
    pred_w = jnp.exp(dw) * anchor_w
    pred_ymin = pred_cy - 0.5 * pred_h
    pred_xmin = pred_cx - 0.5 * pred_w
    pred_ymax = pred_cy + 0.5 * pred_h
    pred_xmax = pred_cx + 0.5 * pred_w
    return jnp.concatenate([pred_ymin, pred_xmin, pred_ymax, pred_xmax], axis=-1)

def iou_one_to_many(box, boxes):
    yi0 = jnp.maximum(box[0], boxes[:, 0])
    xi0 = jnp.maximum(box[1], boxes[:, 1])
    yi1 = jnp.minimum(box[2], boxes[:, 2])
    xi1 = jnp.minimum(box[3], boxes[:, 3])
    inter = jnp.clip(yi1 - yi0, 0.0) * jnp.clip(xi1 - xi0, 0.0)
    area1 = (box[2] - box[0]) * (box[3] - box[1])
    area2 = (boxes[:, 2] - boxes[:, 0]) * (boxes[:, 3] - boxes[:, 1])
    return inter / (area1 + area2 - inter + 1e-8)

def nms_indices(boxes, scores, max_out, iou_thr):
    # greedy NMS returning exactly max_out indices (mirrors tf.image.non_max_suppression selection order)
    def body(i, state):
        s, keep = state
        idx = jnp.argmax(s)
        keep = keep.at[i].set(idx.astype(jnp.int32))
        ious = iou_one_to_many(boxes[idx], boxes)
        s = jnp.where(ious > iou_thr, -jnp.inf, s)
        s = s.at[idx].set(-jnp.inf)
        return (s, keep)
    keep0 = jnp.zeros((max_out,), dtype=jnp.int32)
    _, keep = jax.lax.fori_loop(0, max_out, body, (scores, keep0))
    return keep

def setup_inputs(seed: int = 0) -> dict:
    key = jax.random.key(seed)
    k1, k2, k3, k4 = jax.random.split(key, 4)
    rpn_cls = jax.random.normal(k1, (B, A, 1), dtype=jnp.float32)
    rpn_reg = jax.random.normal(k2, (B, A, 4), dtype=jnp.float32)
    yx = jax.random.uniform(k3, (A, 2), dtype=jnp.float32) * 0.9
    hw = jax.random.uniform(k4, (A, 2), dtype=jnp.float32) * 0.1 + 0.01
    anchors = jnp.concatenate([yx, yx + hw], axis=-1)
    return {"rpn_cls": rpn_cls, "rpn_reg": rpn_reg, "anchors": anchors}

def reference(rpn_cls, rpn_reg, anchors):
    def per_sample(cls_i, reg_i):
        scores = jax.nn.sigmoid(cls_i).reshape(-1)
        deltas = reg_i.reshape(A, 4)
        decoded = decode_boxes(anchors, deltas)
        clipped = jnp.clip(decoded, 0.0, 1.0)
        keep = nms_indices(jax.lax.stop_gradient(clipped), jax.lax.stop_gradient(scores), TOP_N, IOU_THR)
        selected = clipped[keep]
        batch_inds = jnp.zeros((TOP_N,), dtype=jnp.int32)  # original code multiplies by 0
        return selected, batch_inds
    proposals, indices = jax.vmap(per_sample)(rpn_cls, rpn_reg)
    proposals = proposals.reshape(-1, 4)
    indices = indices.reshape(-1)
    return proposals, indices

if __name__ == "__main__":
    import jax
    _d = setup_inputs()
    print(jax.jit(kernel)(*tuple(_d.values())))

</pallas_src>

<mosaic_0001>
#map = affine_map<(d0, d1) -> (0, 0)>
#map1 = affine_map<(d0, d1) -> (0, 0, 0)>
module attributes {stable_mosaic.version = 14 : i64} {
  func.func @_sc_nms_body(%arg0: i32, %arg1: i32, %arg2: memref<8x20480xf32, #tpu.memory_space<hbm>>, %arg3: memref<8x20480xf32, #tpu.memory_space<hbm>>, %arg4: memref<8x20480xf32, #tpu.memory_space<hbm>>, %arg5: memref<8x20480xf32, #tpu.memory_space<hbm>>, %arg6: memref<8x20480xf32, #tpu.memory_space<hbm>>, %arg7: memref<8x4x208xf32, #tpu.memory_space<hbm>>, %arg8: memref<20480xf32, #tpu.memory_space<vmem>>, %arg9: memref<20480xf32, #tpu.memory_space<vmem>>, %arg10: memref<20480xf32, #tpu.memory_space<vmem>>, %arg11: memref<20480xf32, #tpu.memory_space<vmem>>, %arg12: memref<20480xf32, #tpu.memory_space<vmem>>, %arg13: memref<1280xf32, #tpu.memory_space<vmem>>, %arg14: memref<80xf32, #tpu.memory_space<vmem>>, %arg15: memref<208xf32, #tpu.memory_space<vmem>>, %arg16: memref<208xf32, #tpu.memory_space<vmem>>, %arg17: memref<208xf32, #tpu.memory_space<vmem>>, %arg18: memref<208xf32, #tpu.memory_space<vmem>>, %arg19: memref<208xf32, #tpu.memory_space<vmem>>, %arg20: memref<!tpu.dma_semaphore, #tpu.memory_space<semaphore_mem>>, %arg21: memref<!tpu.dma_semaphore, #tpu.memory_space<semaphore_mem>>) attributes {dimension_semantics = [#tpu.dimension_semantics<core_parallel>, #tpu.dimension_semantics<subcore_parallel>], iteration_bounds = array<i64: 2, 16>, scalar_prefetch = 0 : i64, scratch_operands = 14 : i64, tpu.core_type = #tpu.core_type<sc_vector_subcore>, window_params = [{transform_indices = #map}, {transform_indices = #map}, {transform_indices = #map}, {transform_indices = #map}, {transform_indices = #map}, {transform_indices = #map1}]} {
    %lt3A = arith.constant 4 : i32
    %lt3A_0 = arith.cmpi slt, %arg1, %lt3A : i32
    %convert_element_type3A = arith.extui %lt3A_0 : i1 to i32
    %cond3A = arith.constant 0 : i32
    %cond3A_1 = arith.cmpi ne, %convert_element_type3A, %cond3A : i32
    scf.if %cond3A_1 {
      %mul3A = arith.constant 4 : i32
      %mul3A_2 = arith.muli %arg0, %mul3A : i32
      %add3A = arith.addi %mul3A_2, %arg1 : i32
      %dma_start3A = arith.constant 0 : i32
      %dma_start3A_3 = tpu.memref_slice %arg2[%add3A, %dma_start3A] : memref<8x20480xf32, #tpu.memory_space<hbm>> -> memref<1x20480xf32, #tpu.memory_space<hbm>>
      %dma_start3A_4 = tpu.memref_squeeze %dma_start3A_3 : memref<1x20480xf32, #tpu.memory_space<hbm>> -> memref<20480xf32, #tpu.memory_space<hbm>>
      %dma_start3A_5 = arith.constant 0 : i32
      %dma_start3A_6 = tpu.memref_slice %arg2[%add3A, %dma_start3A_5] : memref<8x20480xf32, #tpu.memory_space<hbm>> -> memref<1x20480xf32, #tpu.memory_space<hbm>>
      %dma_start3A_7 = tpu.memref_squeeze %dma_start3A_6 : memref<1x20480xf32, #tpu.memory_space<hbm>> -> memref<20480xf32, #tpu.memory_space<hbm>>
      tpu.enqueue_dma source(%dma_start3A_7 : memref<20480xf32, #tpu.memory_space<hbm>>) target(%arg8 : memref<20480xf32, #tpu.memory_space<vmem>>) target_semaphore(%arg20 : memref<!tpu.dma_semaphore, #tpu.memory_space<semaphore_mem>>)
      %dma_start3A_8 = arith.constant 0 : i32
      %dma_start3A_9 = tpu.memref_slice %arg3[%add3A, %dma_start3A_8] : memref<8x20480xf32, #tpu.memory_space<hbm>> -> memref<1x20480xf32, #tpu.memory_space<hbm>>
      %dma_start3A_10 = tpu.memref_squeeze %dma_start3A_9 : memref<1x20480xf32, #tpu.memory_space<hbm>> -> memref<20480xf32, #tpu.memory_space<hbm>>
      %dma_start3A_11 = arith.constant 0 : i32
      %dma_start3A_12 = tpu.memref_slice %arg3[%add3A, %dma_start3A_11] : memref<8x20480xf32, #tpu.memory_space<hbm>> -> memref<1x20480xf32, #tpu.memory_space<hbm>>
      %dma_start3A_13 = tpu.memref_squeeze %dma_start3A_12 : memref<1x20480xf32, #tpu.memory_space<hbm>> -> memref<20480xf32, #tpu.memory_space<hbm>>
      tpu.enqueue_dma source(%dma_start3A_13 : memref<20480xf32, #tpu.memory_space<hbm>>) target(%arg9 : memref<20480xf32, #tpu.memory_space<vmem>>) target_semaphore(%arg21 : memref<!tpu.dma_semaphore, #tpu.memory_space<semaphore_mem>>)
      %dma_start3A_14 = arith.constant 0 : i32
      %dma_start3A_15 = tpu.memref_slice %arg4[%add3A, %dma_start3A_14] : memref<8x20480xf32, #tpu.memory_space<hbm>> -> memref<1x20480xf32, #tpu.memory_space<hbm>>
      %dma_start3A_16 = tpu.memref_squeeze %dma_start3A_15 : memref<1x20480xf32, #tpu.memory_space<hbm>> -> memref<20480xf32, #tpu.memory_space<hbm>>
      %dma_start3A_17 = arith.constant 0 : i32
      %dma_start3A_18 = tpu.memref_slice %arg4[%add3A, %dma_start3A_17] : memref<8x20480xf32, #tpu.memory_space<hbm>> -> memref<1x20480xf32, #tpu.memory_space<hbm>>
      %dma_start3A_19 = tpu.memref_squeeze %dma_start3A_18 : memref<1x20480xf32, #tpu.memory_space<hbm>> -> memref<20480xf32, #tpu.memory_space<hbm>>
      tpu.enqueue_dma source(%dma_start3A_19 : memref<20480xf32, #tpu.memory_space<hbm>>) target(%arg10 : memref<20480xf32, #tpu.memory_space<vmem>>) target_semaphore(%arg21 : memref<!tpu.dma_semaphore, #tpu.memory_space<semaphore_mem>>)
      %dma_start3A_20 = arith.constant 0 : i32
      %dma_start3A_21 = tpu.memref_slice %arg5[%add3A, %dma_start3A_20] : memref<8x20480xf32, #tpu.memory_space<hbm>> -> memref<1x20480xf32, #tpu.memory_space<hbm>>
      %dma_start3A_22 = tpu.memref_squeeze %dma_start3A_21 : memref<1x20480xf32, #tpu.memory_space<hbm>> -> memref<20480xf32, #tpu.memory_space<hbm>>
      %dma_start3A_23 = arith.constant 0 : i32
      %dma_start3A_24 = tpu.memref_slice %arg5[%add3A, %dma_start3A_23] : memref<8x20480xf32, #tpu.memory_space<hbm>> -> memref<1x20480xf32, #tpu.memory_space<hbm>>
      %dma_start3A_25 = tpu.memref_squeeze %dma_start3A_24 : memref<1x20480xf32, #tpu.memory_space<hbm>> -> memref<20480xf32, #tpu.memory_space<hbm>>
      tpu.enqueue_dma source(%dma_start3A_25 : memref<20480xf32, #tpu.memory_space<hbm>>) target(%arg11 : memref<20480xf32, #tpu.memory_space<vmem>>) target_semaphore(%arg21 : memref<!tpu.dma_semaphore, #tpu.memory_space<semaphore_mem>>)
      %dma_start3A_26 = arith.constant 0 : i32
      %dma_start3A_27 = tpu.memref_slice %arg6[%add3A, %dma_start3A_26] : memref<8x20480xf32, #tpu.memory_space<hbm>> -> memref<1x20480xf32, #tpu.memory_space<hbm>>
      %dma_start3A_28 = tpu.memref_squeeze %dma_start3A_27 : memref<1x20480xf32, #tpu.memory_space<hbm>> -> memref<20480xf32, #tpu.memory_space<hbm>>
      %dma_start3A_29 = arith.constant 0 : i32
      %dma_start3A_30 = tpu.memref_slice %arg6[%add3A, %dma_start3A_29] : memref<8x20480xf32, #tpu.memory_space<hbm>> -> memref<1x20480xf32, #tpu.memory_space<hbm>>
      %dma_start3A_31 = tpu.memref_squeeze %dma_start3A_30 : memref<1x20480xf32, #tpu.memory_space<hbm>> -> memref<20480xf32, #tpu.memory_space<hbm>>
      tpu.enqueue_dma source(%dma_start3A_31 : memref<20480xf32, #tpu.memory_space<hbm>>) target(%arg12 : memref<20480xf32, #tpu.memory_space<vmem>>) target_semaphore(%arg21 : memref<!tpu.dma_semaphore, #tpu.memory_space<semaphore_mem>>)
      %iota3A = tpu.iota {dimensions = array<i32: 0>} : vector<16xi32>
      %broadcast_in_dim3A = arith.constant 0.000000e+00 : f32
      %broadcast_in_dim3A_32 = vector.broadcast %broadcast_in_dim3A : f32 to vector<16xf32>
      %swap3A = arith.constant 0 : index
      %swap3A_33 = tpu.vector_load %arg15[%swap3A] {strides = array<i32>} : memref<208xf32, #tpu.memory_space<vmem>>, vector<16xf32>,
      tpu.vector_store %arg15[%swap3A], %broadcast_in_dim3A_32 {strides = array<i32>} : memref<208xf32, #tpu.memory_space<vmem>>, vector<16xf32>,
      %swap3A_34 = arith.constant 0 : index
      %swap3A_35 = tpu.vector_load %arg16[%swap3A_34] {strides = array<i32>} : memref<208xf32, #tpu.memory_space<vmem>>, vector<16xf32>,
      tpu.vector_store %arg16[%swap3A_34], %broadcast_in_dim3A_32 {strides = array<i32>} : memref<208xf32, #tpu.memory_space<vmem>>, vector<16xf32>,
      %swap3A_36 = arith.constant 0 : index
      %swap3A_37 = tpu.vector_load %arg17[%swap3A_36] {strides = array<i32>} : memref<208xf32, #tpu.memory_space<vmem>>, vector<16xf32>,
      tpu.vector_store %arg17[%swap3A_36], %broadcast_in_dim3A_32 {strides = array<i32>} : memref<208xf32, #tpu.memory_space<vmem>>, vector<16xf32>,
      %swap3A_38 = arith.constant 0 : index
      %swap3A_39 = tpu.vector_load %arg18[%swap3A_38] {strides = array<i32>} : memref<208xf32, #tpu.memory_space<vmem>>, vector<16xf32>,
      tpu.vector_store %arg18[%swap3A_38], %broadcast_in_dim3A_32 {strides = array<i32>} : memref<208xf32, #tpu.memory_space<vmem>>, vector<16xf32>,
      %swap3A_40 = arith.constant 0 : index
      %swap3A_41 = tpu.vector_load %arg19[%swap3A_40] {strides = array<i32>} : memref<208xf32, #tpu.memory_space<vmem>>, vector<16xf32>,
      tpu.vector_store %arg19[%swap3A_40], %broadcast_in_dim3A_32 {strides = array<i32>} : memref<208xf32, #tpu.memory_space<vmem>>, vector<16xf32>,
      %swap3A_42 = arith.constant 16 : index
      %swap3A_43 = tpu.vector_load %arg15[%swap3A_42] {strides = array<i32>} : memref<208xf32, #tpu.memory_space<vmem>>, vector<16xf32>,
      tpu.vector_store %arg15[%swap3A_42], %broadcast_in_dim3A_32 {strides = array<i32>} : memref<208xf32, #tpu.memory_space<vmem>>, vector<16xf32>,
      %swap3A_44 = arith.constant 16 : index
      %swap3A_45 = tpu.vector_load %arg16[%swap3A_44] {strides = array<i32>} : memref<208xf32, #tpu.memory_space<vmem>>, vector<16xf32>,
      tpu.vector_store %arg16[%swap3A_44], %broadcast_in_dim3A_32 {strides = array<i32>} : memref<208xf32, #tpu.memory_space<vmem>>, vector<16xf32>,
      %swap3A_46 = arith.constant 16 : index
      %swap3A_47 = tpu.vector_load %arg17[%swap3A_46] {strides = array<i32>} : memref<208xf32, #tpu.memory_space<vmem>>, vector<16xf32>,
      tpu.vector_store %arg17[%swap3A_46], %broadcast_in_dim3A_32 {strides = array<i32>} : memref<208xf32, #tpu.memory_space<vmem>>, vector<16xf32>,
      %swap3A_48 = arith.constant 16 : index
      %swap3A_49 = tpu.vector_load %arg18[%swap3A_48] {strides = array<i32>} : memref<208xf32, #tpu.memory_space<vmem>>, vector<16xf32>,
      tpu.vector_store %arg18[%swap3A_48], %broadcast_in_dim3A_32 {strides = array<i32>} : memref<208xf32, #tpu.memory_space<vmem>>, vector<16xf32>,
      %swap3A_50 = arith.constant 16 : index
      %swap3A_51 = tpu.vector_load %arg19[%swap3A_50] {strides = array<i32>} : memref<208xf32, #tpu.memory_space<vmem>>, vector<16xf32>,
      tpu.vector_store %arg19[%swap3A_50], %broadcast_in_dim3A_32 {strides = array<i32>} : memref<208xf32, #tpu.memory_space<vmem>>, vector<16xf32>,
      %swap3A_52 = arith.constant 32 : index
      %swap3A_53 = tpu.vector_load %arg15[%swap3A_52] {strides = array<i32>} : memref<208xf32, #tpu.memory_space<vmem>>, vector<16xf32>,
      tpu.vector_store %arg15[%swap3A_52], %broadcast_in_dim3A_32 {strides = array<i32>} : memref<208xf32, #tpu.memory_space<vmem>>, vector<16xf32>,
      %swap3A_54 = arith.constant 32 : index
      %swap3A_55 = tpu.vector_load %arg16[%swap3A_54] {strides = array<i32>} : memref<208xf32, #tpu.memory_space<vmem>>, vector<16xf32>,
      tpu.vector_store %arg16[%swap3A_54], %broadcast_in_dim3A_32 {strides = array<i32>} : memref<208xf32, #tpu.memory_space<vmem>>, vector<16xf32>,
      %swap3A_56 = arith.constant 32 : index
      %swap3A_57 = tpu.vector_load %arg17[%swap3A_56] {strides = array<i32>} : memref<208xf32, #tpu.memory_space<vmem>>, vector<16xf32>,
      tpu.vector_store %arg17[%swap3A_56], %broadcast_in_dim3A_32 {strides = array<i32>} : memref<208xf32, #tpu.memory_space<vmem>>, vector<16xf32>,
      %swap3A_58 = arith.constant 32 : index
      %swap3A_59 = tpu.vector_load %arg18[%swap3A_58] {strides = array<i32>} : memref<208xf32, #tpu.memory_space<vmem>>, vector<16xf32>,
      tpu.vector_store %arg18[%swap3A_58], %broadcast_in_dim3A_32 {strides = array<i32>} : memref<208xf32, #tpu.memory_space<vmem>>, vector<16xf32>,
      %swap3A_60 = arith.constant 32 : index
      %swap3A_61 = tpu.vector_load %arg19[%swap3A_60] {strides = array<i32>} : memref<208xf32, #tpu.memory_space<vmem>>, vector<16xf32>,
      tpu.vector_store %arg19[%swap3A_60], %broadcast_in_dim3A_32 {strides = array<i32>} : memref<208xf32, #tpu.memory_space<vmem>>, vector<16xf32>,
      %swap3A_62 = arith.constant 48 : index
      %swap3A_63 = tpu.vector_load %arg15[%swap3A_62] {strides = array<i32>} : memref<208xf32, #tpu.memory_space<vmem>>, vector<16xf32>,
      tpu.vector_store %arg15[%swap3A_62], %broadcast_in_dim3A_32 {strides = array<i32>} : memref<208xf32, #tpu.memory_space<vmem>>, vector<16xf32>,
      %swap3A_64 = arith.constant 48 : index
      %swap3A_65 = tpu.vector_load %arg16[%swap3A_64] {strides = array<i32>} : memref<208xf32, #tpu.memory_space<vmem>>, vector<16xf32>,
      tpu.vector_store %arg16[%swap3A_64], %broadcast_in_dim3A_32 {strides = array<i32>} : memref<208xf32, #tpu.memory_space<vmem>>, vector<16xf32>,
      %swap3A_66 = arith.constant 48 : index
      %swap3A_67 = tpu.vector_load %arg17[%swap3A_66] {strides = array<i32>} : memref<208xf32, #tpu.memory_space<vmem>>, vector<16xf32>,
      tpu.vector_store %arg17[%swap3A_66], %broadcast_in_dim3A_32 {strides = array<i32>} : memref<208xf32, #tpu.memory_space<vmem>>, vector<16xf32>,
      %swap3A_68 = arith.constant 48 : index
      %swap3A_69 = tpu.vector_load %arg18[%swap3A_68] {strides = array<i32>} : memref<208xf32, #tpu.memory_space<vmem>>, vector<16xf32>,
      tpu.vector_store %arg18[%swap3A_68], %broadcast_in_dim3A_32 {strides = array<i32>} : memref<208xf32, #tpu.memory_space<vmem>>, vector<16xf32>,
      %swap3A_70 = arith.constant 48 : index
      %swap3A_71 = tpu.vector_load %arg19[%swap3A_70] {strides = array<i32>} : memref<208xf32, #tpu.memory_space<vmem>>, vector<16xf32>,
      tpu.vector_store %arg19[%swap3A_70], %broadcast_in_dim3A_32 {strides = array<i32>} : memref<208xf32, #tpu.memory_space<vmem>>, vector<16xf32>,
      %swap3A_72 = arith.constant 64 : index
      %swap3A_73 = tpu.vector_load %arg15[%swap3A_72] {strides = array<i32>} : memref<208xf32, #tpu.memory_space<vmem>>, vector<16xf32>,
      tpu.vector_store %arg15[%swap3A_72], %broadcast_in_dim3A_32 {strides = array<i32>} : memref<208xf32, #tpu.memory_space<vmem>>, vector<16xf32>,
      %swap3A_74 = arith.constant 64 : index
      %swap3A_75 = tpu.vector_load %arg16[%swap3A_74] {strides = array<i32>} : memref<208xf32, #tpu.memory_space<vmem>>, vector<16xf32>,
      tpu.vector_store %arg16[%swap3A_74], %broadcast_in_dim3A_32 {strides = array<i32>} : memref<208xf32, #tpu.memory_space<vmem>>, vector<16xf32>,
      %swap3A_76 = arith.constant 64 : index
      %swap3A_77 = tpu.vector_load %arg17[%swap3A_76] {strides = array<i32>} : memref<208xf32, #tpu.memory_space<vmem>>, vector<16xf32>,
      tpu.vector_store %arg17[%swap3A_76], %broadcast_in_dim3A_32 {strides = array<i32>} : memref<208xf32, #tpu.memory_space<vmem>>, vector<16xf32>,
      %swap3A_78 = arith.constant 64 : index
      %swap3A_79 = tpu.vector_load %arg18[%swap3A_78] {strides = array<i32>} : memref<208xf32, #tpu.memory_space<vmem>>, vector<16xf32>,
      tpu.vector_store %arg18[%swap3A_78], %broadcast_in_dim3A_32 {strides = array<i32>} : memref<208xf32, #tpu.memory_space<vmem>>, vector<16xf32>,
      %swap3A_80 = arith.constant 64 : index
      %swap3A_81 = tpu.vector_load %arg19[%swap3A_80] {strides = array<i32>} : memref<208xf32, #tpu.memory_space<vmem>>, vector<16xf32>,
      tpu.vector_store %arg19[%swap3A_80], %broadcast_in_dim3A_32 {strides = array<i32>} : memref<208xf32, #tpu.memory_space<vmem>>, vector<16xf32>,
      %swap3A_82 = arith.constant 80 : index
      %swap3A_83 = tpu.vector_load %arg15[%swap3A_82] {strides = array<i32>} : memref<208xf32, #tpu.memory_space<vmem>>, vector<16xf32>,
      tpu.vector_store %arg15[%swap3A_82], %broadcast_in_dim3A_32 {strides = array<i32>} : memref<208xf32, #tpu.memory_space<vmem>>, vector<16xf32>,
      %swap3A_84 = arith.constant 80 : index
      %swap3A_85 = tpu.vector_load %arg16[%swap3A_84] {strides = array<i32>} : memref<208xf32, #tpu.memory_space<vmem>>, vector<16xf32>,
      tpu.vector_store %arg16[%swap3A_84], %broadcast_in_dim3A_32 {strides = array<i32>} : memref<208xf32, #tpu.memory_space<vmem>>, vector<16xf32>,
      %swap3A_86 = arith.constant 80 : index
      %swap3A_87 = tpu.vector_load %arg17[%swap3A_86] {strides = array<i32>} : memref<208xf32, #tpu.memory_space<vmem>>, vector<16xf32>,
      tpu.vector_store %arg17[%swap3A_86], %broadcast_in_dim3A_32 {strides = array<i32>} : memref<208xf32, #tpu.memory_space<vmem>>, vector<16xf32>,
      %swap3A_88 = arith.constant 80 : index
      %swap3A_89 = tpu.vector_load %arg18[%swap3A_88] {strides = array<i32>} : memref<208xf32, #tpu.memory_space<vmem>>, vector<16xf32>,
      tpu.vector_store %arg18[%swap3A_88], %broadcast_in_dim3A_32 {strides = array<i32>} : memref<208xf32, #tpu.memory_space<vmem>>, vector<16xf32>,
      %swap3A_90 = arith.constant 80 : index
      %swap3A_91 = tpu.vector_load %arg19[%swap3A_90] {strides = array<i32>} : memref<208xf32, #tpu.memory_space<vmem>>, vector<16xf32>,
      tpu.vector_store %arg19[%swap3A_90], %broadcast_in_dim3A_32 {strides = array<i32>} : memref<208xf32, #tpu.memory_space<vmem>>, vector<16xf32>,
      %swap3A_92 = arith.constant 96 : index
      %swap3A_93 = tpu.vector_load %arg15[%swap3A_92] {strides = array<i32>} : memref<208xf32, #tpu.memory_space<vmem>>, vector<16xf32>,
      tpu.vector_store %arg15[%swap3A_92], %broadcast_in_dim3A_32 {strides = array<i32>} : memref<208xf32, #tpu.memory_space<vmem>>, vector<16xf32>,
      %swap3A_94 = arith.constant 96 : index
      %swap3A_95 = tpu.vector_load %arg16[%swap3A_94] {strides = array<i32>} : memref<208xf32, #tpu.memory_space<vmem>>, vector<16xf32>,
      tpu.vector_store %arg16[%swap3A_94], %broadcast_in_dim3A_32 {strides = array<i32>} : memref<208xf32, #tpu.memory_space<vmem>>, vector<16xf32>,
      %swap3A_96 = arith.constant 96 : index
      %swap3A_97 = tpu.vector_load %arg17[%swap3A_96] {strides = array<i32>} : memref<208xf32, #tpu.memory_space<vmem>>, vector<16xf32>,
      tpu.vector_store %arg17[%swap3A_96], %broadcast_in_dim3A_32 {strides = array<i32>} : memref<208xf32, #tpu.memory_space<vmem>>, vector<16xf32>,
      %swap3A_98 = arith.constant 96 : index
      %swap3A_99 = tpu.vector_load %arg18[%swap3A_98] {strides = array<i32>} : memref<208xf32, #tpu.memory_space<vmem>>, vector<16xf32>,
      tpu.vector_store %arg18[%swap3A_98], %broadcast_in_dim3A_32 {strides = array<i32>} : memref<208xf32, #tpu.memory_space<vmem>>, vector<16xf32>,
      %swap3A_100 = arith.constant 96 : index
      %swap3A_101 = tpu.vector_load %arg19[%swap3A_100] {strides = array<i32>} : memref<208xf32, #tpu.memory_space<vmem>>, vector<16xf32>,
      tpu.vector_store %arg19[%swap3A_100], %broadcast_in_dim3A_32 {strides = array<i32>} : memref<208xf32, #tpu.memory_space<vmem>>, vector<16xf32>,
      %swap3A_102 = arith.constant 112 : index
      %swap3A_103 = tpu.vector_load %arg15[%swap3A_102] {strides = array<i32>} : memref<208xf32, #tpu.memory_space<vmem>>, vector<16xf32>,
      tpu.vector_store %arg15[%swap3A_102], %broadcast_in_dim3A_32 {strides = array<i32>} : memref<208xf32, #tpu.memory_space<vmem>>, vector<16xf32>,
      %swap3A_104 = arith.constant 112 : index
      %swap3A_105 = tpu.vector_load %arg16[%swap3A_104] {strides = array<i32>} : memref<208xf32, #tpu.memory_space<vmem>>, vector<16xf32>,
      tpu.vector_store %arg16[%swap3A_104], %broadcast_in_dim3A_32 {strides = array<i32>} : memref<208xf32, #tpu.memory_space<vmem>>, vector<16xf32>,
      %swap3A_106 = arith.constant 112 : index
      %swap3A_107 = tpu.vector_load %arg17[%swap3A_106] {strides = array<i32>} : memref<208xf32, #tpu.memory_space<vmem>>, vector<16xf32>,
      tpu.vector_store %arg17[%swap3A_106], %broadcast_in_dim3A_32 {strides = array<i32>} : memref<208xf32, #tpu.memory_space<vmem>>, vector<16xf32>,
      %swap3A_108 = arith.constant 112 : index
      %swap3A_109 = tpu.vector_load %arg18[%swap3A_108] {strides = array<i32>} : memref<208xf32, #tpu.memory_space<vmem>>, vector<16xf32>,
      tpu.vector_store %arg18[%swap3A_108], %broadcast_in_dim3A_32 {strides = array<i32>} : memref<208xf32, #tpu.memory_space<vmem>>, vector<16xf32>,
      %swap3A_110 = arith.constant 112 : index
      %swap3A_111 = tpu.vector_load %arg19[%swap3A_110] {strides = array<i32>} : memref<208xf32, #tpu.memory_space<vmem>>, vector<16xf32>,
      tpu.vector_store %arg19[%swap3A_110], %broadcast_in_dim3A_32 {strides = array<i32>} : memref<208xf32, #tpu.memory_space<vmem>>, vector<16xf32>,
      %swap3A_112 = arith.constant 128 : index
      %swap3A_113 = tpu.vector_load %arg15[%swap3A_112] {strides = array<i32>} : memref<208xf32, #tpu.memory_space<vmem>>, vector<16xf32>,
      tpu.vector_store %arg15[%swap3A_112], %broadcast_in_dim3A_32 {strides = array<i32>} : memref<208xf32, #tpu.memory_space<vmem>>, vector<16xf32>,
      %swap3A_114 = arith.constant 128 : index
      %swap3A_115 = tpu.vector_load %arg16[%swap3A_114] {strides = array<i32>} : memref<208xf32, #tpu.memory_space<vmem>>, vector<16xf32>,
      tpu.vector_store %arg16[%swap3A_114], %broadcast_in_dim3A_32 {strides = array<i32>} : memref<208xf32, #tpu.memory_space<vmem>>, vector<16xf32>,
      %swap3A_116 = arith.constant 128 : index
      %swap3A_117 = tpu.vector_load %arg17[%swap3A_116] {strides = array<i32>} : memref<208xf32, #tpu.memory_space<vmem>>, vector<16xf32>,
      tpu.vector_store %arg17[%swap3A_116], %broadcast_in_dim3A_32 {strides = array<i32>} : memref<208xf32, #tpu.memory_space<vmem>>, vector<16xf32>,
      %swap3A_118 = arith.constant 128 : index
      %swap3A_119 = tpu.vector_load %arg18[%swap3A_118] {strides = array<i32>} : memref<208xf32, #tpu.memory_space<vmem>>, vector<16xf32>,
      tpu.vector_store %arg18[%swap3A_118], %broadcast_in_dim3A_32 {strides = array<i32>} : memref<208xf32, #tpu.memory_space<vmem>>, vector<16xf32>,
      %swap3A_120 = arith.constant 128 : index
      %swap3A_121 = tpu.vector_load %arg19[%swap3A_120] {strides = array<i32>} : memref<208xf32, #tpu.memory_space<vmem>>, vector<16xf32>,
      tpu.vector_store %arg19[%swap3A_120], %broadcast_in_dim3A_32 {strides = array<i32>} : memref<208xf32, #tpu.memory_space<vmem>>, vector<16xf32>,
      %swap3A_122 = arith.constant 144 : index
      %swap3A_123 = tpu.vector_load %arg15[%swap3A_122] {strides = array<i32>} : memref<208xf32, #tpu.memory_space<vmem>>, vector<16xf32>,
      tpu.vector_store %arg15[%swap3A_122], %broadcast_in_dim3A_32 {strides = array<i32>} : memref<208xf32, #tpu.memory_space<vmem>>, vector<16xf32>,
      %swap3A_124 = arith.constant 144 : index
      %swap3A_125 = tpu.vector_load %arg16[%swap3A_124] {strides = array<i32>} : memref<208xf32, #tpu.memory_space<vmem>>, vector<16xf32>,
      tpu.vector_store %arg16[%swap3A_124], %broadcast_in_dim3A_32 {strides = array<i32>} : memref<208xf32, #tpu.memory_space<vmem>>, vector<16xf32>,
      %swap3A_126 = arith.constant 144 : index
      %swap3A_127 = tpu.vector_load %arg17[%swap3A_126] {strides = array<i32>} : memref<208xf32, #tpu.memory_space<vmem>>, vector<16xf32>,
      tpu.vector_store %arg17[%swap3A_126], %broadcast_in_dim3A_32 {strides = array<i32>} : memref<208xf32, #tpu.memory_space<vmem>>, vector<16xf32>,
      %swap3A_128 = arith.constant 144 : index
      %swap3A_129 = tpu.vector_load %arg18[%swap3A_128] {strides = array<i32>} : memref<208xf32, #tpu.memory_space<vmem>>, vector<16xf32>,
      tpu.vector_store %arg18[%swap3A_128], %broadcast_in_dim3A_32 {strides = array<i32>} : memref<208xf32, #tpu.memory_space<vmem>>, vector<16xf32>,
      %swap3A_130 = arith.constant 144 : index
      %swap3A_131 = tpu.vector_load %arg19[%swap3A_130] {strides = array<i32>} : memref<208xf32, #tpu.memory_space<vmem>>, vector<16xf32>,
      tpu.vector_store %arg19[%swap3A_130], %broadcast_in_dim3A_32 {strides = array<i32>} : memref<208xf32, #tpu.memory_space<vmem>>, vector<16xf32>,
      %swap3A_132 = arith.constant 160 : index
      %swap3A_133 = tpu.vector_load %arg15[%swap3A_132] {strides = array<i32>} : memref<208xf32, #tpu.memory_space<vmem>>, vector<16xf32>,
      tpu.vector_store %arg15[%swap3A_132], %broadcast_in_dim3A_32 {strides = array<i32>} : memref<208xf32, #tpu.memory_space<vmem>>, vector<16xf32>,
      %swap3A_134 = arith.constant 160 : index
      %swap3A_135 = tpu.vector_load %arg16[%swap3A_134] {strides = array<i32>} : memref<208xf32, #tpu.memory_space<vmem>>, vector<16xf32>,
      tpu.vector_store %arg16[%swap3A_134], %broadcast_in_dim3A_32 {strides = array<i32>} : memref<208xf32, #tpu.memory_space<vmem>>, vector<16xf32>,
      %swap3A_136 = arith.constant 160 : index
      %swap3A_137 = tpu.vector_load %arg17[%swap3A_136] {strides = array<i32>} : memref<208xf32, #tpu.memory_space<vmem>>, vector<16xf32>,
      tpu.vector_store %arg17[%swap3A_136], %broadcast_in_dim3A_32 {strides = array<i32>} : memref<208xf32, #tpu.memory_space<vmem>>, vector<16xf32>,
      %swap3A_138 = arith.constant 160 : index
      %swap3A_139 = tpu.vector_load %arg18[%swap3A_138] {strides = array<i32>} : memref<208xf32, #tpu.memory_space<vmem>>, vector<16xf32>,
      tpu.vector_store %arg18[%swap3A_138], %broadcast_in_dim3A_32 {strides = array<i32>} : memref<208xf32, #tpu.memory_space<vmem>>, vector<16xf32>,
      %swap3A_140 = arith.constant 160 : index
      %swap3A_141 = tpu.vector_load %arg19[%swap3A_140] {strides = array<i32>} : memref<208xf32, #tpu.memory_space<vmem>>, vector<16xf32>,
      tpu.vector_store %arg19[%swap3A_140], %broadcast_in_dim3A_32 {strides = array<i32>} : memref<208xf32, #tpu.memory_space<vmem>>, vector<16xf32>,
      %swap3A_142 = arith.constant 176 : index
      %swap3A_143 = tpu.vector_load %arg15[%swap3A_142] {strides = array<i32>} : memref<208xf32, #tpu.memory_space<vmem>>, vector<16xf32>,
      tpu.vector_store %arg15[%swap3A_142], %broadcast_in_dim3A_32 {strides = array<i32>} : memref<208xf32, #tpu.memory_space<vmem>>, vector<16xf32>,
      %swap3A_144 = arith.constant 176 : index
      %swap3A_145 = tpu.vector_load %arg16[%swap3A_144] {strides = array<i32>} : memref<208xf32, #tpu.memory_space<vmem>>, vector<16xf32>,
      tpu.vector_store %arg16[%swap3A_144], %broadcast_in_dim3A_32 {strides = array<i32>} : memref<208xf32, #tpu.memory_space<vmem>>, vector<16xf32>,
      %swap3A_146 = arith.constant 176 : index
      %swap3A_147 = tpu.vector_load %arg17[%swap3A_146] {strides = array<i32>} : memref<208xf32, #tpu.memory_space<vmem>>, vector<16xf32>,
      tpu.vector_store %arg17[%swap3A_146], %broadcast_in_dim3A_32 {strides = array<i32>} : memref<208xf32, #tpu.memory_space<vmem>>, vector<16xf32>,
      %swap3A_148 = arith.constant 176 : index
      %swap3A_149 = tpu.vector_load %arg18[%swap3A_148] {strides = array<i32>} : memref<208xf32, #tpu.memory_space<vmem>>, vector<16xf32>,
      tpu.vector_store %arg18[%swap3A_148], %broadcast_in_dim3A_32 {strides = array<i32>} : memref<208xf32, #tpu.memory_space<vmem>>, vector<16xf32>,
      %swap3A_150 = arith.constant 176 : index
      %swap3A_151 = tpu.vector_load %arg19[%swap3A_150] {strides = array<i32>} : memref<208xf32, #tpu.memory_space<vmem>>, vector<16xf32>,
      tpu.vector_store %arg19[%swap3A_150], %broadcast_in_dim3A_32 {strides = array<i32>} : memref<208xf32, #tpu.memory_space<vmem>>, vector<16xf32>,
      %swap3A_152 = arith.constant 192 : index
      %swap3A_153 = tpu.vector_load %arg15[%swap3A_152] {strides = array<i32>} : memref<208xf32, #tpu.memory_space<vmem>>, vector<16xf32>,
      tpu.vector_store %arg15[%swap3A_152], %broadcast_in_dim3A_32 {strides = array<i32>} : memref<208xf32, #tpu.memory_space<vmem>>, vector<16xf32>,
      %swap3A_154 = arith.constant 192 : index
      %swap3A_155 = tpu.vector_load %arg16[%swap3A_154] {strides = array<i32>} : memref<208xf32, #tpu.memory_space<vmem>>, vector<16xf32>,
      tpu.vector_store %arg16[%swap3A_154], %broadcast_in_dim3A_32 {strides = array<i32>} : memref<208xf32, #tpu.memory_space<vmem>>, vector<16xf32>,
      %swap3A_156 = arith.constant 192 : index
      %swap3A_157 = tpu.vector_load %arg17[%swap3A_156] {strides = array<i32>} : memref<208xf32, #tpu.memory_space<vmem>>, vector<16xf32>,
      tpu.vector_store %arg17[%swap3A_156], %broadcast_in_dim3A_32 {strides = array<i32>} : memref<208xf32, #tpu.memory_space<vmem>>, vector<16xf32>,
      %swap3A_158 = arith.constant 192 : index
      %swap3A_159 = tpu.vector_load %arg18[%swap3A_158] {strides = array<i32>} : memref<208xf32, #tpu.memory_space<vmem>>, vector<16xf32>,
      tpu.vector_store %arg18[%swap3A_158], %broadcast_in_dim3A_32 {strides = array<i32>} : memref<208xf32, #tpu.memory_space<vmem>>, vector<16xf32>,
      %swap3A_160 = arith.constant 192 : index
      %swap3A_161 = tpu.vector_load %arg19[%swap3A_160] {strides = array<i32>} : memref<208xf32, #tpu.memory_space<vmem>>, vector<16xf32>,
      tpu.vector_store %arg19[%swap3A_160], %broadcast_in_dim3A_32 {strides = array<i32>} : memref<208xf32, #tpu.memory_space<vmem>>, vector<16xf32>,
      %dma_wait3A = arith.constant 0 : i32
      %dma_wait3A_162 = tpu.memref_slice %arg2[%add3A, %dma_wait3A] : memref<8x20480xf32, #tpu.memory_space<hbm>> -> memref<1x20480xf32, #tpu.memory_space<hbm>>
      %dma_wait3A_163 = tpu.memref_squeeze %dma_wait3A_162 : memref<1x20480xf32, #tpu.memory_space<hbm>> -> memref<20480xf32, #tpu.memory_space<hbm>>
      %dma_wait3A_164 = arith.constant 0 : i32
      %dma_wait3A_165 = tpu.memref_slice %arg2[%add3A, %dma_wait3A_164] : memref<8x20480xf32, #tpu.memory_space<hbm>> -> memref<1x20480xf32, #tpu.memory_space<hbm>>
      %dma_wait3A_166 = tpu.memref_squeeze %dma_wait3A_165 : memref<1x20480xf32, #tpu.memory_space<hbm>> -> memref<20480xf32, #tpu.memory_space<hbm>>
      tpu.wait_dma2 semaphore(%arg20 : memref<!tpu.dma_semaphore, #tpu.memory_space<semaphore_mem>>) src(%dma_wait3A_166 : memref<20480xf32, #tpu.memory_space<hbm>>) dst(%arg8 : memref<20480xf32, #tpu.memory_space<vmem>>)
      %scan3A = arith.constant 0 : i32
      %scan3A_167 = arith.constant 0 : i32
      %scan3A_168 = arith.constant 320 : i32
      %scan3A_169 = arith.addi %scan3A_167, %scan3A_168 : i32
      %scan3A_170 = arith.constant 1 : i32
      %scan3A_171 = scf.for %scan3A_549 = %scan3A_167 to %scan3A_169 step %scan3A_170 iter_args(%scan3A_550 = %scan3A) -> (i32)  : i32 {
        %mul3A_551 = arith.constant 4 : i32
        %mul3A_552 = arith.muli %scan3A_549, %mul3A_551 : i32
        %add3A_553 = arith.constant 0 : i32
        %add3A_554 = arith.addi %mul3A_552, %add3A_553 : i32
        %mul3A_555 = arith.constant 16 : i32
        %mul3A_556 = arith.muli %add3A_554, %mul3A_555 : i32
        %get3A_557 = arith.index_cast %mul3A_556 : i32 to index
        %get3A_558 = tpu.vector_load %arg8[%get3A_557] {strides = array<i32>} : memref<20480xf32, #tpu.memory_space<vmem>>, vector<16xf32>,
        %mul3A_559 = arith.constant 4 : i32
        %mul3A_560 = arith.muli %scan3A_549, %mul3A_559 : i32
        %add3A_561 = arith.constant 0 : i32
        %add3A_562 = arith.addi %mul3A_560, %add3A_561 : i32
        %reduce_max3A = arith.constant true
        %reduce_max3A_563 = vector.broadcast %reduce_max3A : i1 to vector<16xi1>
        %reduce_max3A_564 = tpu.scan <max>, %get3A_558 masked %reduce_max3A_563 : vector<16xf32>, vector<16xi1> -> vector<16xf32>
        %reduce_max3A_565 = vector.extract %reduce_max3A_564[15] : f32 from vector<16xf32>
        %broadcast_in_dim3A_566 = vector.broadcast %add3A_562 : i32 to vector<16xi32>
        %broadcast_in_dim3A_567 = vector.broadcast %reduce_max3A_565 : f32 to vector<16xf32>
        %iota3A_568 = tpu.iota {dimensions = array<i32: 0>} : vector<16xi32>
        %eq3A = arith.constant 0 : i32
        %eq3A_569 = vector.broadcast %eq3A : i32 to vector<16xi32>
        %eq3A_570 = arith.cmpi eq, %iota3A_568, %eq3A_569 : vector<16xi32>
        tpu.vector_store_idx %arg13[%broadcast_in_dim3A_566], %broadcast_in_dim3A_567 masked %eq3A_570 : memref<1280xf32, #tpu.memory_space<vmem>>[vector<16xi32>], vector<16xf32>, vector<16xi1>
        %mul3A_571 = arith.constant 4 : i32
        %mul3A_572 = arith.muli %scan3A_549, %mul3A_571 : i32
        %add3A_573 = arith.constant 1 : i32
        %add3A_574 = arith.addi %mul3A_572, %add3A_573 : i32
        %mul3A_575 = arith.constant 16 : i32
        %mul3A_576 = arith.muli %add3A_574, %mul3A_575 : i32
        %get3A_577 = arith.index_cast %mul3A_576 : i32 to index
        %get3A_578 = tpu.vector_load %arg8[%get3A_577] {strides = array<i32>} : memref<20480xf32, #tpu.memory_space<vmem>>, vector<16xf32>,
        %mul3A_579 = arith.constant 4 : i32
        %mul3A_580 = arith.muli %scan3A_549, %mul3A_579 : i32
        %add3A_581 = arith.constant 1 : i32
        %add3A_582 = arith.addi %mul3A_580, %add3A_581 : i32
        %reduce_max3A_583 = arith.constant true
        %reduce_max3A_584 = vector.broadcast %reduce_max3A_583 : i1 to vector<16xi1>
        %reduce_max3A_585 = tpu.scan <max>, %get3A_578 masked %reduce_max3A_584 : vector<16xf32>, vector<16xi1> -> vector<16xf32>
        %reduce_max3A_586 = vector.extract %reduce_max3A_585[15] : f32 from vector<16xf32>
        %broadcast_in_dim3A_587 = vector.broadcast %add3A_582 : i32 to vector<16xi32>
        %broadcast_in_dim3A_588 = vector.broadcast %reduce_max3A_586 : f32 to vector<16xf32>
        %iota3A_589 = tpu.iota {dimensions = array<i32: 0>} : vector<16xi32>
        %eq3A_590 = arith.constant 0 : i32
        %eq3A_591 = vector.broadcast %eq3A_590 : i32 to vector<16xi32>
        %eq3A_592 = arith.cmpi eq, %iota3A_589, %eq3A_591 : vector<16xi32>
        tpu.vector_store_idx %arg13[%broadcast_in_dim3A_587], %broadcast_in_dim3A_588 masked %eq3A_592 : memref<1280xf32, #tpu.memory_space<vmem>>[vector<16xi32>], vector<16xf32>, vector<16xi1>
        %mul3A_593 = arith.constant 4 : i32
        %mul3A_594 = arith.muli %scan3A_549, %mul3A_593 : i32
        %add3A_595 = arith.constant 2 : i32
        %add3A_596 = arith.addi %mul3A_594, %add3A_595 : i32
        %mul3A_597 = arith.constant 16 : i32
        %mul3A_598 = arith.muli %add3A_596, %mul3A_597 : i32
        %get3A_599 = arith.index_cast %mul3A_598 : i32 to index
        %get3A_600 = tpu.vector_load %arg8[%get3A_599] {strides = array<i32>} : memref<20480xf32, #tpu.memory_space<vmem>>, vector<16xf32>,
        %mul3A_601 = arith.constant 4 : i32
        %mul3A_602 = arith.muli %scan3A_549, %mul3A_601 : i32
        %add3A_603 = arith.constant 2 : i32
        %add3A_604 = arith.addi %mul3A_602, %add3A_603 : i32
        %reduce_max3A_605 = arith.constant true
        %reduce_max3A_606 = vector.broadcast %reduce_max3A_605 : i1 to vector<16xi1>
        %reduce_max3A_607 = tpu.scan <max>, %get3A_600 masked %reduce_max3A_606 : vector<16xf32>, vector<16xi1> -> vector<16xf32>
        %reduce_max3A_608 = vector.extract %reduce_max3A_607[15] : f32 from vector<16xf32>
        %broadcast_in_dim3A_609 = vector.broadcast %add3A_604 : i32 to vector<16xi32>
        %broadcast_in_dim3A_610 = vector.broadcast %reduce_max3A_608 : f32 to vector<16xf32>
        %iota3A_611 = tpu.iota {dimensions = array<i32: 0>} : vector<16xi32>
        %eq3A_612 = arith.constant 0 : i32
        %eq3A_613 = vector.broadcast %eq3A_612 : i32 to vector<16xi32>
        %eq3A_614 = arith.cmpi eq, %iota3A_611, %eq3A_613 : vector<16xi32>
        tpu.vector_store_idx %arg13[%broadcast_in_dim3A_609], %broadcast_in_dim3A_610 masked %eq3A_614 : memref<1280xf32, #tpu.memory_space<vmem>>[vector<16xi32>], vector<16xf32>, vector<16xi1>
        %mul3A_615 = arith.constant 4 : i32
        %mul3A_616 = arith.muli %scan3A_549, %mul3A_615 : i32
        %add3A_617 = arith.constant 3 : i32
        %add3A_618 = arith.addi %mul3A_616, %add3A_617 : i32
        %mul3A_619 = arith.constant 16 : i32
        %mul3A_620 = arith.muli %add3A_618, %mul3A_619 : i32
        %get3A_621 = arith.index_cast %mul3A_620 : i32 to index
        %get3A_622 = tpu.vector_load %arg8[%get3A_621] {strides = array<i32>} : memref<20480xf32, #tpu.memory_space<vmem>>, vector<16xf32>,
        %mul3A_623 = arith.constant 4 : i32
        %mul3A_624 = arith.muli %scan3A_549, %mul3A_623 : i32
        %add3A_625 = arith.constant 3 : i32
        %add3A_626 = arith.addi %mul3A_624, %add3A_625 : i32
        %reduce_max3A_627 = arith.constant true
        %reduce_max3A_628 = vector.broadcast %reduce_max3A_627 : i1 to vector<16xi1>
        %reduce_max3A_629 = tpu.scan <max>, %get3A_622 masked %reduce_max3A_628 : vector<16xf32>, vector<16xi1> -> vector<16xf32>
        %reduce_max3A_630 = vector.extract %reduce_max3A_629[15] : f32 from vector<16xf32>
        %broadcast_in_dim3A_631 = vector.broadcast %add3A_626 : i32 to vector<16xi32>
        %broadcast_in_dim3A_632 = vector.broadcast %reduce_max3A_630 : f32 to vector<16xf32>
        %iota3A_633 = tpu.iota {dimensions = array<i32: 0>} : vector<16xi32>
        %eq3A_634 = arith.constant 0 : i32
        %eq3A_635 = vector.broadcast %eq3A_634 : i32 to vector<16xi32>
        %eq3A_636 = arith.cmpi eq, %iota3A_633, %eq3A_635 : vector<16xi32>
        tpu.vector_store_idx %arg13[%broadcast_in_dim3A_631], %broadcast_in_dim3A_632 masked %eq3A_636 : memref<1280xf32, #tpu.memory_space<vmem>>[vector<16xi32>], vector<16xf32>, vector<16xi1>
        %scan3A_637 = arith.constant 0 : i32
        scf.yield %scan3A_637 : i32
      }
      %scan3A_172 = arith.constant 320 : i32
      %scan3A_173 = arith.constant 0 : i32
      %scan3A_174 = arith.constant 0 : i32
      %scan3A_175 = arith.constant 20 : i32
      %scan3A_176 = arith.addi %scan3A_174, %scan3A_175 : i32
      %scan3A_177 = arith.constant 1 : i32
      %scan3A_178 = scf.for %scan3A_549 = %scan3A_174 to %scan3A_176 step %scan3A_177 iter_args(%scan3A_550 = %scan3A_173) -> (i32)  : i32 {
        %mul3A_551 = arith.constant 4 : i32
        %mul3A_552 = arith.muli %scan3A_549, %mul3A_551 : i32
        %add3A_553 = arith.constant 0 : i32
        %add3A_554 = arith.addi %mul3A_552, %add3A_553 : i32
        %mul3A_555 = arith.constant 16 : i32
        %mul3A_556 = arith.muli %add3A_554, %mul3A_555 : i32
        %get3A_557 = arith.index_cast %mul3A_556 : i32 to index
        %get3A_558 = tpu.vector_load %arg13[%get3A_557] {strides = array<i32>} : memref<1280xf32, #tpu.memory_space<vmem>>, vector<16xf32>,
        %mul3A_559 = arith.constant 4 : i32
        %mul3A_560 = arith.muli %scan3A_549, %mul3A_559 : i32
        %add3A_561 = arith.constant 0 : i32
        %add3A_562 = arith.addi %mul3A_560, %add3A_561 : i32
        %reduce_max3A = arith.constant true
        %reduce_max3A_563 = vector.broadcast %reduce_max3A : i1 to vector<16xi1>
        %reduce_max3A_564 = tpu.scan <max>, %get3A_558 masked %reduce_max3A_563 : vector<16xf32>, vector<16xi1> -> vector<16xf32>
        %reduce_max3A_565 = vector.extract %reduce_max3A_564[15] : f32 from vector<16xf32>
        %broadcast_in_dim3A_566 = vector.broadcast %add3A_562 : i32 to vector<16xi32>
        %broadcast_in_dim3A_567 = vector.broadcast %reduce_max3A_565 : f32 to vector<16xf32>
        %iota3A_568 = tpu.iota {dimensions = array<i32: 0>} : vector<16xi32>
        %eq3A = arith.constant 0 : i32
        %eq3A_569 = vector.broadcast %eq3A : i32 to vector<16xi32>
        %eq3A_570 = arith.cmpi eq, %iota3A_568, %eq3A_569 : vector<16xi32>
        tpu.vector_store_idx %arg14[%broadcast_in_dim3A_566], %broadcast_in_dim3A_567 masked %eq3A_570 : memref<80xf32, #tpu.memory_space<vmem>>[vector<16xi32>], vector<16xf32>, vector<16xi1>
        %mul3A_571 = arith.constant 4 : i32
        %mul3A_572 = arith.muli %scan3A_549, %mul3A_571 : i32
        %add3A_573 = arith.constant 1 : i32
        %add3A_574 = arith.addi %mul3A_572, %add3A_573 : i32
        %mul3A_575 = arith.constant 16 : i32
        %mul3A_576 = arith.muli %add3A_574, %mul3A_575 : i32
        %get3A_577 = arith.index_cast %mul3A_576 : i32 to index
        %get3A_578 = tpu.vector_load %arg13[%get3A_577] {strides = array<i32>} : memref<1280xf32, #tpu.memory_space<vmem>>, vector<16xf32>,
        %mul3A_579 = arith.constant 4 : i32
        %mul3A_580 = arith.muli %scan3A_549, %mul3A_579 : i32
        %add3A_581 = arith.constant 1 : i32
        %add3A_582 = arith.addi %mul3A_580, %add3A_581 : i32
        %reduce_max3A_583 = arith.constant true
        %reduce_max3A_584 = vector.broadcast %reduce_max3A_583 : i1 to vector<16xi1>
        %reduce_max3A_585 = tpu.scan <max>, %get3A_578 masked %reduce_max3A_584 : vector<16xf32>, vector<16xi1> -> vector<16xf32>
        %reduce_max3A_586 = vector.extract %reduce_max3A_585[15] : f32 from vector<16xf32>
        %broadcast_in_dim3A_587 = vector.broadcast %add3A_582 : i32 to vector<16xi32>
        %broadcast_in_dim3A_588 = vector.broadcast %reduce_max3A_586 : f32 to vector<16xf32>
        %iota3A_589 = tpu.iota {dimensions = array<i32: 0>} : vector<16xi32>
        %eq3A_590 = arith.constant 0 : i32
        %eq3A_591 = vector.broadcast %eq3A_590 : i32 to vector<16xi32>
        %eq3A_592 = arith.cmpi eq, %iota3A_589, %eq3A_591 : vector<16xi32>
        tpu.vector_store_idx %arg14[%broadcast_in_dim3A_587], %broadcast_in_dim3A_588 masked %eq3A_592 : memref<80xf32, #tpu.memory_space<vmem>>[vector<16xi32>], vector<16xf32>, vector<16xi1>
        %mul3A_593 = arith.constant 4 : i32
        %mul3A_594 = arith.muli %scan3A_549, %mul3A_593 : i32
        %add3A_595 = arith.constant 2 : i32
        %add3A_596 = arith.addi %mul3A_594, %add3A_595 : i32
        %mul3A_597 = arith.constant 16 : i32
        %mul3A_598 = arith.muli %add3A_596, %mul3A_597 : i32
        %get3A_599 = arith.index_cast %mul3A_598 : i32 to index
        %get3A_600 = tpu.vector_load %arg13[%get3A_599] {strides = array<i32>} : memref<1280xf32, #tpu.memory_space<vmem>>, vector<16xf32>,
        %mul3A_601 = arith.constant 4 : i32
        %mul3A_602 = arith.muli %scan3A_549, %mul3A_601 : i32
        %add3A_603 = arith.constant 2 : i32
        %add3A_604 = arith.addi %mul3A_602, %add3A_603 : i32
        %reduce_max3A_605 = arith.constant true
        %reduce_max3A_606 = vector.broadcast %reduce_max3A_605 : i1 to vector<16xi1>
        %reduce_max3A_607 = tpu.scan <max>, %get3A_600 masked %reduce_max3A_606 : vector<16xf32>, vector<16xi1> -> vector<16xf32>
        %reduce_max3A_608 = vector.extract %reduce_max3A_607[15] : f32 from vector<16xf32>
        %broadcast_in_dim3A_609 = vector.broadcast %add3A_604 : i32 to vector<16xi32>
        %broadcast_in_dim3A_610 = vector.broadcast %reduce_max3A_608 : f32 to vector<16xf32>
        %iota3A_611 = tpu.iota {dimensions = array<i32: 0>} : vector<16xi32>
        %eq3A_612 = arith.constant 0 : i32
        %eq3A_613 = vector.broadcast %eq3A_612 : i32 to vector<16xi32>
        %eq3A_614 = arith.cmpi eq, %iota3A_611, %eq3A_613 : vector<16xi32>
        tpu.vector_store_idx %arg14[%broadcast_in_dim3A_609], %broadcast_in_dim3A_610 masked %eq3A_614 : memref<80xf32, #tpu.memory_space<vmem>>[vector<16xi32>], vector<16xf32>, vector<16xi1>
        %mul3A_615 = arith.constant 4 : i32
        %mul3A_616 = arith.muli %scan3A_549, %mul3A_615 : i32
        %add3A_617 = arith.constant 3 : i32
        %add3A_618 = arith.addi %mul3A_616, %add3A_617 : i32
        %mul3A_619 = arith.constant 16 : i32
        %mul3A_620 = arith.muli %add3A_618, %mul3A_619 : i32
        %get3A_621 = arith.index_cast %mul3A_620 : i32 to index
        %get3A_622 = tpu.vector_load %arg13[%get3A_621] {strides = array<i32>} : memref<1280xf32, #tpu.memory_space<vmem>>, vector<16xf32>,
        %mul3A_623 = arith.constant 4 : i32
        %mul3A_624 = arith.muli %scan3A_549, %mul3A_623 : i32
        %add3A_625 = arith.constant 3 : i32
        %add3A_626 = arith.addi %mul3A_624, %add3A_625 : i32
        %reduce_max3A_627 = arith.constant true
        %reduce_max3A_628 = vector.broadcast %reduce_max3A_627 : i1 to vector<16xi1>
        %reduce_max3A_629 = tpu.scan <max>, %get3A_622 masked %reduce_max3A_628 : vector<16xf32>, vector<16xi1> -> vector<16xf32>
        %reduce_max3A_630 = vector.extract %reduce_max3A_629[15] : f32 from vector<16xf32>
        %broadcast_in_dim3A_631 = vector.broadcast %add3A_626 : i32 to vector<16xi32>
        %broadcast_in_dim3A_632 = vector.broadcast %reduce_max3A_630 : f32 to vector<16xf32>
        %iota3A_633 = tpu.iota {dimensions = array<i32: 0>} : vector<16xi32>
        %eq3A_634 = arith.constant 0 : i32
        %eq3A_635 = vector.broadcast %eq3A_634 : i32 to vector<16xi32>
        %eq3A_636 = arith.cmpi eq, %iota3A_633, %eq3A_635 : vector<16xi32>
        tpu.vector_store_idx %arg14[%broadcast_in_dim3A_631], %broadcast_in_dim3A_632 masked %eq3A_636 : memref<80xf32, #tpu.memory_space<vmem>>[vector<16xi32>], vector<16xf32>, vector<16xi1>
        %scan3A_637 = arith.constant 0 : i32
        scf.yield %scan3A_637 : i32
      }
      %scan3A_179 = arith.constant 20 : i32
      %dma_wait3A_180 = arith.constant 0 : i32
      %dma_wait3A_181 = tpu.memref_slice %arg3[%add3A, %dma_wait3A_180] : memref<8x20480xf32, #tpu.memory_space<hbm>> -> memref<1x20480xf32, #tpu.memory_space<hbm>>
      %dma_wait3A_182 = tpu.memref_squeeze %dma_wait3A_181 : memref<1x20480xf32, #tpu.memory_space<hbm>> -> memref<20480xf32, #tpu.memory_space<hbm>>
      %dma_wait3A_183 = arith.constant 0 : i32
      %dma_wait3A_184 = tpu.memref_slice %arg3[%add3A, %dma_wait3A_183] : memref<8x20480xf32, #tpu.memory_space<hbm>> -> memref<1x20480xf32, #tpu.memory_space<hbm>>
      %dma_wait3A_185 = tpu.memref_squeeze %dma_wait3A_184 : memref<1x20480xf32, #tpu.memory_space<hbm>> -> memref<20480xf32, #tpu.memory_space<hbm>>
      tpu.wait_dma2 semaphore(%arg21 : memref<!tpu.dma_semaphore, #tpu.memory_space<semaphore_mem>>) src(%dma_wait3A_185 : memref<20480xf32, #tpu.memory_space<hbm>>) dst(%arg9 : memref<20480xf32, #tpu.memory_space<vmem>>)
      %dma_wait3A_186 = arith.constant 0 : i32
      %dma_wait3A_187 = tpu.memref_slice %arg4[%add3A, %dma_wait3A_186] : memref<8x20480xf32, #tpu.memory_space<hbm>> -> memref<1x20480xf32, #tpu.memory_space<hbm>>
      %dma_wait3A_188 = tpu.memref_squeeze %dma_wait3A_187 : memref<1x20480xf32, #tpu.memory_space<hbm>> -> memref<20480xf32, #tpu.memory_space<hbm>>
      %dma_wait3A_189 = arith.constant 0 : i32
      %dma_wait3A_190 = tpu.memref_slice %arg4[%add3A, %dma_wait3A_189] : memref<8x20480xf32, #tpu.memory_space<hbm>> -> memref<1x20480xf32, #tpu.memory_space<hbm>>
      %dma_wait3A_191 = tpu.memref_squeeze %dma_wait3A_190 : memref<1x20480xf32, #tpu.memory_space<hbm>> -> memref<20480xf32, #tpu.memory_space<hbm>>
      tpu.wait_dma2 semaphore(%arg21 : memref<!tpu.dma_semaphore, #tpu.memory_space<semaphore_mem>>) src(%dma_wait3A_191 : memref<20480xf32, #tpu.memory_space<hbm>>) dst(%arg10 : memref<20480xf32, #tpu.memory_space<vmem>>)
      %dma_wait3A_192 = arith.constant 0 : i32
      %dma_wait3A_193 = tpu.memref_slice %arg5[%add3A, %dma_wait3A_192] : memref<8x20480xf32, #tpu.memory_space<hbm>> -> memref<1x20480xf32, #tpu.memory_space<hbm>>
      %dma_wait3A_194 = tpu.memref_squeeze %dma_wait3A_193 : memref<1x20480xf32, #tpu.memory_space<hbm>> -> memref<20480xf32, #tpu.memory_space<hbm>>
      %dma_wait3A_195 = arith.constant 0 : i32
      %dma_wait3A_196 = tpu.memref_slice %arg5[%add3A, %dma_wait3A_195] : memref<8x20480xf32, #tpu.memory_space<hbm>> -> memref<1x20480xf32, #tpu.memory_space<hbm>>
      %dma_wait3A_197 = tpu.memref_squeeze %dma_wait3A_196 : memref<1x20480xf32, #tpu.memory_space<hbm>> -> memref<20480xf32, #tpu.memory_space<hbm>>
      tpu.wait_dma2 semaphore(%arg21 : memref<!tpu.dma_semaphore, #tpu.memory_space<semaphore_mem>>) src(%dma_wait3A_197 : memref<20480xf32, #tpu.memory_space<hbm>>) dst(%arg11 : memref<20480xf32, #tpu.memory_space<vmem>>)
      %dma_wait3A_198 = arith.constant 0 : i32
      %dma_wait3A_199 = tpu.memref_slice %arg6[%add3A, %dma_wait3A_198] : memref<8x20480xf32, #tpu.memory_space<hbm>> -> memref<1x20480xf32, #tpu.memory_space<hbm>>
      %dma_wait3A_200 = tpu.memref_squeeze %dma_wait3A_199 : memref<1x20480xf32, #tpu.memory_space<hbm>> -> memref<20480xf32, #tpu.memory_space<hbm>>
      %dma_wait3A_201 = arith.constant 0 : i32
      %dma_wait3A_202 = tpu.memref_slice %arg6[%add3A, %dma_wait3A_201] : memref<8x20480xf32, #tpu.memory_space<hbm>> -> memref<1x20480xf32, #tpu.memory_space<hbm>>
      %dma_wait3A_203 = tpu.memref_squeeze %dma_wait3A_202 : memref<1x20480xf32, #tpu.memory_space<hbm>> -> memref<20480xf32, #tpu.memory_space<hbm>>
      tpu.wait_dma2 semaphore(%arg21 : memref<!tpu.dma_semaphore, #tpu.memory_space<semaphore_mem>>) src(%dma_wait3A_203 : memref<20480xf32, #tpu.memory_space<hbm>>) dst(%arg12 : memref<20480xf32, #tpu.memory_space<vmem>>)
      %while3A = arith.constant 0 : i32
      %while3A_204 = arith.constant 1 : i32
      %while3A_205:2 = scf.while (%while3A_549 = %while3A, %while3A_550 = %while3A_204) : (i32, i32) -> (i32, i32) {
        %lt3A_551 = arith.constant 200 : i32
        %lt3A_552 = arith.cmpi slt, %while3A_549, %lt3A_551 : i32
        %gt3A = arith.constant 0 : i32
        %gt3A_553 = arith.cmpi sgt, %while3A_550, %gt3A : i32
        %and3A = arith.andi %lt3A_552, %gt3A_553 : i1
        scf.condition(%and3A) %while3A_549, %while3A_550 : i32, i32
      } do {
      ^bb0(%while3A_549: i32, %while3A_550: i32):
        %get3A_551 = arith.constant 0 : index
        %get3A_552 = tpu.vector_load %arg14[%get3A_551] {strides = array<i32>} : memref<80xf32, #tpu.memory_space<vmem>>, vector<16xf32>,
        %get3A_553 = arith.constant 16 : index
        %get3A_554 = tpu.vector_load %arg14[%get3A_553] {strides = array<i32>} : memref<80xf32, #tpu.memory_space<vmem>>, vector<16xf32>,
        %get3A_555 = arith.constant 32 : index
        %get3A_556 = tpu.vector_load %arg14[%get3A_555] {strides = array<i32>} : memref<80xf32, #tpu.memory_space<vmem>>, vector<16xf32>,
        %get3A_557 = arith.constant 48 : index
        %get3A_558 = tpu.vector_load %arg14[%get3A_557] {strides = array<i32>} : memref<80xf32, #tpu.memory_space<vmem>>, vector<16xf32>,
        %get3A_559 = arith.constant 64 : index
        %get3A_560 = tpu.vector_load %arg14[%get3A_559] {strides = array<i32>} : memref<80xf32, #tpu.memory_space<vmem>>, vector<16xf32>,
        %max3A = arith.maximumf %get3A_552, %get3A_554 : vector<16xf32>
        %max3A_561 = arith.maximumf %max3A, %get3A_556 : vector<16xf32>
        %max3A_562 = arith.maximumf %max3A_561, %get3A_558 : vector<16xf32>
        %max3A_563 = arith.maximumf %max3A_562, %get3A_560 : vector<16xf32>
        %reduce_max3A = arith.constant true
        %reduce_max3A_564 = vector.broadcast %reduce_max3A : i1 to vector<16xi1>
        %reduce_max3A_565 = tpu.scan <max>, %max3A_563 masked %reduce_max3A_564 : vector<16xf32>, vector<16xi1> -> vector<16xf32>
        %reduce_max3A_566 = vector.extract %reduce_max3A_565[15] : f32 from vector<16xf32>
        %eq3A = vector.broadcast %reduce_max3A_566 : f32 to vector<16xf32>
        %eq3A_567 = arith.cmpf oeq, %get3A_552, %eq3A : vector<16xf32>
        %jit3A = arith.constant 1073741824 : i32
        %broadcast_in_dim3A_568 = vector.broadcast %jit3A : i32 to vector<16xi32>
        %select_n3A_569 = arith.select %eq3A_567, %iota3A, %broadcast_in_dim3A_568 : vector<16xi1>, vector<16xi32>
        %eq3A_570 = vector.broadcast %reduce_max3A_566 : f32 to vector<16xf32>
        %eq3A_571 = arith.cmpf oeq, %get3A_554, %eq3A_570 : vector<16xf32>
        %add3A_572 = arith.constant 16 : i32
        %add3A_573 = vector.broadcast %add3A_572 : i32 to vector<16xi32>
        %add3A_574 = arith.addi %add3A_573, %iota3A : vector<16xi32>
        %jit3A_575 = arith.constant 1073741824 : i32
        %broadcast_in_dim3A_576 = vector.broadcast %jit3A_575 : i32 to vector<16xi32>
        %select_n3A_577 = arith.select %eq3A_571, %add3A_574, %broadcast_in_dim3A_576 : vector<16xi1>, vector<16xi32>
        %min3A = arith.minsi %select_n3A_569, %select_n3A_577 : vector<16xi32>
        %eq3A_578 = vector.broadcast %reduce_max3A_566 : f32 to vector<16xf32>
        %eq3A_579 = arith.cmpf oeq, %get3A_556, %eq3A_578 : vector<16xf32>
        %add3A_580 = arith.constant 32 : i32
        %add3A_581 = vector.broadcast %add3A_580 : i32 to vector<16xi32>
        %add3A_582 = arith.addi %add3A_581, %iota3A : vector<16xi32>
        %jit3A_583 = arith.constant 1073741824 : i32
        %broadcast_in_dim3A_584 = vector.broadcast %jit3A_583 : i32 to vector<16xi32>
        %select_n3A_585 = arith.select %eq3A_579, %add3A_582, %broadcast_in_dim3A_584 : vector<16xi1>, vector<16xi32>
        %min3A_586 = arith.minsi %min3A, %select_n3A_585 : vector<16xi32>
        %eq3A_587 = vector.broadcast %reduce_max3A_566 : f32 to vector<16xf32>
        %eq3A_588 = arith.cmpf oeq, %get3A_558, %eq3A_587 : vector<16xf32>
        %add3A_589 = arith.constant 48 : i32
        %add3A_590 = vector.broadcast %add3A_589 : i32 to vector<16xi32>
        %add3A_591 = arith.addi %add3A_590, %iota3A : vector<16xi32>
        %jit3A_592 = arith.constant 1073741824 : i32
        %broadcast_in_dim3A_593 = vector.broadcast %jit3A_592 : i32 to vector<16xi32>
        %select_n3A_594 = arith.select %eq3A_588, %add3A_591, %broadcast_in_dim3A_593 : vector<16xi1>, vector<16xi32>
        %min3A_595 = arith.minsi %min3A_586, %select_n3A_594 : vector<16xi32>
        %eq3A_596 = vector.broadcast %reduce_max3A_566 : f32 to vector<16xf32>
        %eq3A_597 = arith.cmpf oeq, %get3A_560, %eq3A_596 : vector<16xf32>
        %add3A_598 = arith.constant 64 : i32
        %add3A_599 = vector.broadcast %add3A_598 : i32 to vector<16xi32>
        %add3A_600 = arith.addi %add3A_599, %iota3A : vector<16xi32>
        %jit3A_601 = arith.constant 1073741824 : i32
        %broadcast_in_dim3A_602 = vector.broadcast %jit3A_601 : i32 to vector<16xi32>
        %select_n3A_603 = arith.select %eq3A_597, %add3A_600, %broadcast_in_dim3A_602 : vector<16xi1>, vector<16xi32>
        %min3A_604 = arith.minsi %min3A_595, %select_n3A_603 : vector<16xi32>
        %reduce_min3A = arith.constant true
        %reduce_min3A_605 = vector.broadcast %reduce_min3A : i1 to vector<16xi1>
        %reduce_min3A_606 = arith.constant -2147483648 : i32
        %reduce_min3A_607 = vector.broadcast %reduce_min3A_606 : i32 to vector<16xi32>
        %reduce_min3A_608 = arith.xori %min3A_604, %reduce_min3A_607 : vector<16xi32>
        %reduce_min3A_609 = tpu.scan <min>, %reduce_min3A_608 masked %reduce_min3A_605 : vector<16xi32>, vector<16xi1> -> vector<16xi32>
        %reduce_min3A_610 = arith.xori %reduce_min3A_609, %reduce_min3A_607 : vector<16xi32>
        %reduce_min3A_611 = vector.extract %reduce_min3A_610[15] : i32 from vector<16xi32>
        %mul3A_612 = arith.constant 16 : i32
        %mul3A_613 = arith.muli %reduce_min3A_611, %mul3A_612 : i32
        %get3A_614 = arith.index_cast %mul3A_613 : i32 to index
        %get3A_615 = tpu.vector_load %arg13[%get3A_614] {strides = array<i32>} : memref<1280xf32, #tpu.memory_space<vmem>>, vector<16xf32>,
        %eq3A_616 = vector.broadcast %reduce_max3A_566 : f32 to vector<16xf32>
        %eq3A_617 = arith.cmpf oeq, %get3A_615, %eq3A_616 : vector<16xf32>
        %all_reduce_ffs3A = tpu.all_reduce %eq3A_617 {dim = 0 : i64, kind = #tpu.reduction_kind<find_first_set>} : vector<16xi1> -> vector<16xi32>
        %mul3A_618 = arith.constant 16 : i32
        %mul3A_619 = arith.muli %reduce_min3A_611, %mul3A_618 : i32
        %slice3A_620 = vector.extract_strided_slice %all_reduce_ffs3A {offsets = [0], sizes = [1], strides = [1]} : vector<16xi32> to vector<1xi32>
        %squeeze3A_621 = vector.extract %slice3A_620[0] : i32 from vector<1xi32>
        %add3A_622 = arith.addi %mul3A_619, %squeeze3A_621 : i32
        %mul3A_623 = arith.constant 16 : i32
        %mul3A_624 = arith.muli %add3A_622, %mul3A_623 : i32
        %get3A_625 = arith.index_cast %mul3A_624 : i32 to index
        %get3A_626 = tpu.vector_load %arg8[%get3A_625] {strides = array<i32>} : memref<20480xf32, #tpu.memory_space<vmem>>, vector<16xf32>,
        %eq3A_627 = vector.broadcast %reduce_max3A_566 : f32 to vector<16xf32>
        %eq3A_628 = arith.cmpf oeq, %get3A_626, %eq3A_627 : vector<16xf32>
        %all_reduce_ffs3A_629 = tpu.all_reduce %eq3A_628 {dim = 0 : i64, kind = #tpu.reduction_kind<find_first_set>} : vector<16xi1> -> vector<16xi32>
        %eq3A_630 = arith.cmpi eq, %iota3A, %all_reduce_ffs3A_629 : vector<16xi32>
        %gt3A = arith.constant 0xFF800000 : f32
        %gt3A_631 = arith.cmpf ogt, %reduce_max3A_566, %gt3A : f32
        %jit3A_632 = arith.constant 0xFF800000 : f32
        %broadcast_in_dim3A_633 = vector.broadcast %jit3A_632 : f32 to vector<16xf32>
        %select_n3A_634 = arith.select %eq3A_630, %broadcast_in_dim3A_633, %get3A_626 : vector<16xi1>, vector<16xf32>
        %mul3A_635 = arith.constant 16 : i32
        %mul3A_636 = arith.muli %add3A_622, %mul3A_635 : i32
        %swap3A_637 = arith.index_cast %mul3A_636 : i32 to index
        %swap3A_638 = tpu.vector_load %arg8[%swap3A_637] {strides = array<i32>} : memref<20480xf32, #tpu.memory_space<vmem>>, vector<16xf32>,
        tpu.vector_store %arg8[%swap3A_637], %select_n3A_634 {strides = array<i32>} : memref<20480xf32, #tpu.memory_space<vmem>>, vector<16xf32>,
        %reduce_max3A_639 = arith.constant true
        %reduce_max3A_640 = vector.broadcast %reduce_max3A_639 : i1 to vector<16xi1>
        %reduce_max3A_641 = tpu.scan <max>, %select_n3A_634 masked %reduce_max3A_640 : vector<16xf32>, vector<16xi1> -> vector<16xf32>
        %reduce_max3A_642 = vector.extract %reduce_max3A_641[15] : f32 from vector<16xf32>
        %broadcast_in_dim3A_643 = vector.broadcast %add3A_622 : i32 to vector<16xi32>
        %broadcast_in_dim3A_644 = vector.broadcast %reduce_max3A_642 : f32 to vector<16xf32>
        %iota3A_645 = tpu.iota {dimensions = array<i32: 0>} : vector<16xi32>
        %eq3A_646 = arith.constant 0 : i32
        %eq3A_647 = vector.broadcast %eq3A_646 : i32 to vector<16xi32>
        %eq3A_648 = arith.cmpi eq, %iota3A_645, %eq3A_647 : vector<16xi32>
        tpu.vector_store_idx %arg13[%broadcast_in_dim3A_643], %broadcast_in_dim3A_644 masked %eq3A_648 : memref<1280xf32, #tpu.memory_space<vmem>>[vector<16xi32>], vector<16xf32>, vector<16xi1>
        %eq3A_649 = arith.cmpi eq, %iota3A, %all_reduce_ffs3A : vector<16xi32>
        %broadcast_in_dim3A_650 = vector.broadcast %reduce_max3A_642 : f32 to vector<16xf32>
        %select_n3A_651 = arith.select %eq3A_649, %broadcast_in_dim3A_650, %get3A_615 : vector<16xi1>, vector<16xf32>
        %reduce_max3A_652 = arith.constant true
        %reduce_max3A_653 = vector.broadcast %reduce_max3A_652 : i1 to vector<16xi1>
        %reduce_max3A_654 = tpu.scan <max>, %select_n3A_651 masked %reduce_max3A_653 : vector<16xf32>, vector<16xi1> -> vector<16xf32>
        %reduce_max3A_655 = vector.extract %reduce_max3A_654[15] : f32 from vector<16xf32>
        %broadcast_in_dim3A_656 = vector.broadcast %reduce_min3A_611 : i32 to vector<16xi32>
        %broadcast_in_dim3A_657 = vector.broadcast %reduce_max3A_655 : f32 to vector<16xf32>
        %iota3A_658 = tpu.iota {dimensions = array<i32: 0>} : vector<16xi32>
        %eq3A_659 = arith.constant 0 : i32
        %eq3A_660 = vector.broadcast %eq3A_659 : i32 to vector<16xi32>
        %eq3A_661 = arith.cmpi eq, %iota3A_658, %eq3A_660 : vector<16xi32>
        tpu.vector_store_idx %arg14[%broadcast_in_dim3A_656], %broadcast_in_dim3A_657 masked %eq3A_661 : memref<80xf32, #tpu.memory_space<vmem>>[vector<16xi32>], vector<16xf32>, vector<16xi1>
        %mul3A_662 = arith.constant 16 : i32
        %mul3A_663 = arith.muli %add3A_622, %mul3A_662 : i32
        %add3A_664 = vector.broadcast %mul3A_663 : i32 to vector<16xi32>
        %add3A_665 = arith.addi %add3A_664, %all_reduce_ffs3A_629 : vector<16xi32>
        %gather3A = tpu.vector_load_idx %arg9[%add3A_665] : memref<20480xf32, #tpu.memory_space<vmem>>[vector<16xi32>], vector<16xf32>,
        %gather3A_666 = tpu.vector_load_idx %arg10[%add3A_665] : memref<20480xf32, #tpu.memory_space<vmem>>[vector<16xi32>], vector<16xf32>,
        %gather3A_667 = tpu.vector_load_idx %arg11[%add3A_665] : memref<20480xf32, #tpu.memory_space<vmem>>[vector<16xi32>], vector<16xf32>,
        %gather3A_668 = tpu.vector_load_idx %arg12[%add3A_665] : memref<20480xf32, #tpu.memory_space<vmem>>[vector<16xi32>], vector<16xf32>,
        %sub3A = arith.subf %gather3A_667, %gather3A : vector<16xf32>
        %sub3A_669 = arith.subf %gather3A_668, %gather3A_666 : vector<16xf32>
        %mul3A_670 = arith.mulf %sub3A, %sub3A_669 : vector<16xf32>
        %add3A_671 = arith.constant 15 : i32
        %add3A_672 = arith.addi %while3A_549, %add3A_671 : i32
        %jit3A_673 = arith.constant 16 : i32
        %div3A = arith.divsi %add3A_672, %jit3A_673 : i32
        %sign3A = arith.constant 0 : i32
        %sign3A_674 = arith.cmpi sgt, %add3A_672, %sign3A : i32
        %sign3A_675 = arith.extui %sign3A_674 : i1 to i32
        %sign3A_676 = arith.constant 0 : i32
        %sign3A_677 = arith.cmpi slt, %add3A_672, %sign3A_676 : i32
        %sign3A_678 = arith.extui %sign3A_677 : i1 to i32
        %sign3A_679 = arith.subi %sign3A_675, %sign3A_678 : i32
        %sign3A_680 = arith.constant 0 : i32
        %sign3A_681 = arith.cmpi sgt, %jit3A_673, %sign3A_680 : i32
        %sign3A_682 = arith.extui %sign3A_681 : i1 to i32
        %sign3A_683 = arith.constant 0 : i32
        %sign3A_684 = arith.cmpi slt, %jit3A_673, %sign3A_683 : i32
        %sign3A_685 = arith.extui %sign3A_684 : i1 to i32
        %sign3A_686 = arith.subi %sign3A_682, %sign3A_685 : i32
        %ne3A = arith.cmpi ne, %sign3A_679, %sign3A_686 : i32
        %rem3A = arith.remsi %add3A_672, %jit3A_673 : i32
        %ne3A_687 = arith.constant 0 : i32
        %ne3A_688 = arith.cmpi ne, %rem3A, %ne3A_687 : i32
        %and3A = arith.andi %ne3A, %ne3A_688 : i1
        %sub3A_689 = arith.constant 1 : i32
        %sub3A_690 = arith.subi %div3A, %sub3A_689 : i32
        %select_n3A_691 = arith.select %and3A, %sub3A_690, %div3A : i32
        %broadcast_in_dim3A_692 = arith.constant 0 : i32
        %broadcast_in_dim3A_693 = vector.broadcast %broadcast_in_dim3A_692 : i32 to vector<16xi32>
        %while3A_694 = arith.constant 0 : i32
        %while3A_695 = arith.subi %select_n3A_691, %while3A_694 : i32
        %while3A_696 = arith.addi %while3A_694, %while3A_695 : i32
        %while3A_697 = arith.constant 1 : i32
        %while3A_698 = arith.divsi %while3A_695, %while3A_697 : i32
        %while3A_699 = arith.muli %while3A_698, %while3A_697 : i32
        %while3A_700 = arith.addi %while3A_694, %while3A_699 : i32
        %while3A_701 = arith.constant 1 : i32
        %while3A_702 = scf.for %while3A_723 = %while3A_694 to %while3A_700 step %while3A_701 iter_args(%while3A_724 = %broadcast_in_dim3A_693) -> (vector<16xi32>)  : i32 {
          %mul3A_725 = arith.constant 16 : i32
          %mul3A_726 = arith.muli %while3A_723, %mul3A_725 : i32
          %get3A_727 = arith.index_cast %mul3A_726 : i32 to index
          %get3A_728 = tpu.vector_load %arg15[%get3A_727] {strides = array<i32>} : memref<208xf32, #tpu.memory_space<vmem>>, vector<16xf32>,
          %mul3A_729 = arith.constant 16 : i32
          %mul3A_730 = arith.muli %while3A_723, %mul3A_729 : i32
          %get3A_731 = arith.index_cast %mul3A_730 : i32 to index
          %get3A_732 = tpu.vector_load %arg16[%get3A_731] {strides = array<i32>} : memref<208xf32, #tpu.memory_space<vmem>>, vector<16xf32>,
          %mul3A_733 = arith.constant 16 : i32
          %mul3A_734 = arith.muli %while3A_723, %mul3A_733 : i32
          %get3A_735 = arith.index_cast %mul3A_734 : i32 to index
          %get3A_736 = tpu.vector_load %arg17[%get3A_735] {strides = array<i32>} : memref<208xf32, #tpu.memory_space<vmem>>, vector<16xf32>,
          %mul3A_737 = arith.constant 16 : i32
          %mul3A_738 = arith.muli %while3A_723, %mul3A_737 : i32
          %get3A_739 = arith.index_cast %mul3A_738 : i32 to index
          %get3A_740 = tpu.vector_load %arg18[%get3A_739] {strides = array<i32>} : memref<208xf32, #tpu.memory_space<vmem>>, vector<16xf32>,
          %mul3A_741 = arith.constant 16 : i32
          %mul3A_742 = arith.muli %while3A_723, %mul3A_741 : i32
          %get3A_743 = arith.index_cast %mul3A_742 : i32 to index
          %get3A_744 = tpu.vector_load %arg19[%get3A_743] {strides = array<i32>} : memref<208xf32, #tpu.memory_space<vmem>>, vector<16xf32>,
          %max3A_745 = arith.maximumf %gather3A, %get3A_728 : vector<16xf32>
          %max3A_746 = arith.maximumf %gather3A_666, %get3A_732 : vector<16xf32>
          %min3A_747 = arith.minimumf %gather3A_667, %get3A_736 : vector<16xf32>
          %min3A_748 = arith.minimumf %gather3A_668, %get3A_740 : vector<16xf32>
          %sub3A_749 = arith.subf %min3A_747, %max3A_745 : vector<16xf32>
          %max3A_750 = arith.constant 0.000000e+00 : f32
          %max3A_751 = vector.broadcast %max3A_750 : f32 to vector<16xf32>
          %max3A_752 = arith.maximumf %sub3A_749, %max3A_751 : vector<16xf32>
          %sub3A_753 = arith.subf %min3A_748, %max3A_746 : vector<16xf32>
          %max3A_754 = arith.constant 0.000000e+00 : f32
          %max3A_755 = vector.broadcast %max3A_754 : f32 to vector<16xf32>
          %max3A_756 = arith.maximumf %sub3A_753, %max3A_755 : vector<16xf32>
          %mul3A_757 = arith.mulf %max3A_752, %max3A_756 : vector<16xf32>
          %add3A_758 = arith.addf %mul3A_670, %get3A_744 : vector<16xf32>
          %sub3A_759 = arith.subf %add3A_758, %mul3A_757 : vector<16xf32>
          %add3A_760 = arith.constant 9.99999993E-9 : f32
          %add3A_761 = vector.broadcast %add3A_760 : f32 to vector<16xf32>
          %add3A_762 = arith.addf %sub3A_759, %add3A_761 : vector<16xf32>
          %div3A_763 = arith.divf %mul3A_757, %add3A_762 : vector<16xf32>
          %gt3A_764 = arith.constant 0.699999988 : f32
          %gt3A_765 = vector.broadcast %gt3A_764 : f32 to vector<16xf32>
          %gt3A_766 = arith.cmpf ogt, %div3A_763, %gt3A_765 : vector<16xf32>
          %convert_element_type3A_767 = arith.extui %gt3A_766 : vector<16xi1> to vector<16xi32>
          %or3A = arith.ori %while3A_724, %convert_element_type3A_767 : vector<16xi32>
          scf.yield %or3A : vector<16xi32>
        }
        %while3A_703 = arith.constant 1 : i32
        %while3A_704 = scf.for %while3A_723 = %while3A_700 to %while3A_696 step %while3A_703 iter_args(%while3A_724 = %while3A_702) -> (vector<16xi32>)  : i32 {
          %mul3A_725 = arith.constant 16 : i32
          %mul3A_726 = arith.muli %while3A_723, %mul3A_725 : i32
          %get3A_727 = arith.index_cast %mul3A_726 : i32 to index
          %get3A_728 = tpu.vector_load %arg15[%get3A_727] {strides = array<i32>} : memref<208xf32, #tpu.memory_space<vmem>>, vector<16xf32>,
          %mul3A_729 = arith.constant 16 : i32
          %mul3A_730 = arith.muli %while3A_723, %mul3A_729 : i32
          %get3A_731 = arith.index_cast %mul3A_730 : i32 to index
          %get3A_732 = tpu.vector_load %arg16[%get3A_731] {strides = array<i32>} : memref<208xf32, #tpu.memory_space<vmem>>, vector<16xf32>,
          %mul3A_733 = arith.constant 16 : i32
          %mul3A_734 = arith.muli %while3A_723, %mul3A_733 : i32
          %get3A_735 = arith.index_cast %mul3A_734 : i32 to index
          %get3A_736 = tpu.vector_load %arg17[%get3A_735] {strides = array<i32>} : memref<208xf32, #tpu.memory_space<vmem>>, vector<16xf32>,
          %mul3A_737 = arith.constant 16 : i32
          %mul3A_738 = arith.muli %while3A_723, %mul3A_737 : i32
          %get3A_739 = arith.index_cast %mul3A_738 : i32 to index
          %get3A_740 = tpu.vector_load %arg18[%get3A_739] {strides = array<i32>} : memref<208xf32, #tpu.memory_space<vmem>>, vector<16xf32>,
          %mul3A_741 = arith.constant 16 : i32
          %mul3A_742 = arith.muli %while3A_723, %mul3A_741 : i32
          %get3A_743 = arith.index_cast %mul3A_742 : i32 to index
          %get3A_744 = tpu.vector_load %arg19[%get3A_743] {strides = array<i32>} : memref<208xf32, #tpu.memory_space<vmem>>, vector<16xf32>,
          %max3A_745 = arith.maximumf %gather3A, %get3A_728 : vector<16xf32>
          %max3A_746 = arith.maximumf %gather3A_666, %get3A_732 : vector<16xf32>
          %min3A_747 = arith.minimumf %gather3A_667, %get3A_736 : vector<16xf32>
          %min3A_748 = arith.minimumf %gather3A_668, %get3A_740 : vector<16xf32>
          %sub3A_749 = arith.subf %min3A_747, %max3A_745 : vector<16xf32>
          %max3A_750 = arith.constant 0.000000e+00 : f32
          %max3A_751 = vector.broadcast %max3A_750 : f32 to vector<16xf32>
          %max3A_752 = arith.maximumf %sub3A_749, %max3A_751 : vector<16xf32>
          %sub3A_753 = arith.subf %min3A_748, %max3A_746 : vector<16xf32>
          %max3A_754 = arith.constant 0.000000e+00 : f32
          %max3A_755 = vector.broadcast %max3A_754 : f32 to vector<16xf32>
          %max3A_756 = arith.maximumf %sub3A_753, %max3A_755 : vector<16xf32>
          %mul3A_757 = arith.mulf %max3A_752, %max3A_756 : vector<16xf32>
          %add3A_758 = arith.addf %mul3A_670, %get3A_744 : vector<16xf32>
          %sub3A_759 = arith.subf %add3A_758, %mul3A_757 : vector<16xf32>
          %add3A_760 = arith.constant 9.99999993E-9 : f32
          %add3A_761 = vector.broadcast %add3A_760 : f32 to vector<16xf32>
          %add3A_762 = arith.addf %sub3A_759, %add3A_761 : vector<16xf32>
          %div3A_763 = arith.divf %mul3A_757, %add3A_762 : vector<16xf32>
          %gt3A_764 = arith.constant 0.699999988 : f32
          %gt3A_765 = vector.broadcast %gt3A_764 : f32 to vector<16xf32>
          %gt3A_766 = arith.cmpf ogt, %div3A_763, %gt3A_765 : vector<16xf32>
          %convert_element_type3A_767 = arith.extui %gt3A_766 : vector<16xi1> to vector<16xi32>
          %or3A = arith.ori %while3A_724, %convert_element_type3A_767 : vector<16xi32>
          scf.yield %or3A : vector<16xi32>
        }
        %gt3A_705 = arith.constant 0 : i32
        %gt3A_706 = vector.broadcast %gt3A_705 : i32 to vector<16xi32>
        %gt3A_707 = arith.cmpi sgt, %while3A_704, %gt3A_706 : vector<16xi32>
        %all_reduce_population_count3A = tpu.all_reduce %gt3A_707 {dim = 0 : i64, kind = #tpu.reduction_kind<sum>} : vector<16xi1> -> vector<16xi32>
        %slice3A_708 = vector.extract_strided_slice %all_reduce_population_count3A {offsets = [0], sizes = [1], strides = [1]} : vector<16xi32> to vector<1xi32>
        %squeeze3A_709 = vector.extract %slice3A_708[0] : i32 from vector<1xi32>
        %eq3A_710 = arith.constant 0 : i32
        %eq3A_711 = arith.cmpi eq, %squeeze3A_709, %eq3A_710 : i32
        %and3A_712 = arith.andi %gt3A_631, %eq3A_711 : i1
        %convert_element_type3A_713 = arith.extui %and3A_712 : i1 to i32
        %cond3A_714 = arith.constant 0 : i32
        %cond3A_715 = arith.cmpi ne, %convert_element_type3A_713, %cond3A_714 : i32
        scf.if %cond3A_715 {
          %slice3A_723 = vector.extract_strided_slice %gather3A {offsets = [0], sizes = [1], strides = [1]} : vector<16xf32> to vector<1xf32>
          %squeeze3A_724 = vector.extract %slice3A_723[0] : f32 from vector<1xf32>
          %broadcast_in_dim3A_725 = vector.broadcast %while3A_549 : i32 to vector<16xi32>
          %broadcast_in_dim3A_726 = vector.broadcast %squeeze3A_724 : f32 to vector<16xf32>
          %iota3A_727 = tpu.iota {dimensions = array<i32: 0>} : vector<16xi32>
          %eq3A_728 = arith.constant 0 : i32
          %eq3A_729 = vector.broadcast %eq3A_728 : i32 to vector<16xi32>
          %eq3A_730 = arith.cmpi eq, %iota3A_727, %eq3A_729 : vector<16xi32>
          tpu.vector_store_idx %arg15[%broadcast_in_dim3A_725], %broadcast_in_dim3A_726 masked %eq3A_730 : memref<208xf32, #tpu.memory_space<vmem>>[vector<16xi32>], vector<16xf32>, vector<16xi1>
          %slice3A_731 = vector.extract_strided_slice %gather3A_666 {offsets = [0], sizes = [1], strides = [1]} : vector<16xf32> to vector<1xf32>
          %squeeze3A_732 = vector.extract %slice3A_731[0] : f32 from vector<1xf32>
          %broadcast_in_dim3A_733 = vector.broadcast %while3A_549 : i32 to vector<16xi32>
          %broadcast_in_dim3A_734 = vector.broadcast %squeeze3A_732 : f32 to vector<16xf32>
          %iota3A_735 = tpu.iota {dimensions = array<i32: 0>} : vector<16xi32>
          %eq3A_736 = arith.constant 0 : i32
          %eq3A_737 = vector.broadcast %eq3A_736 : i32 to vector<16xi32>
          %eq3A_738 = arith.cmpi eq, %iota3A_735, %eq3A_737 : vector<16xi32>
          tpu.vector_store_idx %arg16[%broadcast_in_dim3A_733], %broadcast_in_dim3A_734 masked %eq3A_738 : memref<208xf32, #tpu.memory_space<vmem>>[vector<16xi32>], vector<16xf32>, vector<16xi1>
          %slice3A_739 = vector.extract_strided_slice %gather3A_667 {offsets = [0], sizes = [1], strides = [1]} : vector<16xf32> to vector<1xf32>
          %squeeze3A_740 = vector.extract %slice3A_739[0] : f32 from vector<1xf32>
          %broadcast_in_dim3A_741 = vector.broadcast %while3A_549 : i32 to vector<16xi32>
          %broadcast_in_dim3A_742 = vector.broadcast %squeeze3A_740 : f32 to vector<16xf32>
          %iota3A_743 = tpu.iota {dimensions = array<i32: 0>} : vector<16xi32>
          %eq3A_744 = arith.constant 0 : i32
          %eq3A_745 = vector.broadcast %eq3A_744 : i32 to vector<16xi32>
          %eq3A_746 = arith.cmpi eq, %iota3A_743, %eq3A_745 : vector<16xi32>
          tpu.vector_store_idx %arg17[%broadcast_in_dim3A_741], %broadcast_in_dim3A_742 masked %eq3A_746 : memref<208xf32, #tpu.memory_space<vmem>>[vector<16xi32>], vector<16xf32>, vector<16xi1>
          %slice3A_747 = vector.extract_strided_slice %gather3A_668 {offsets = [0], sizes = [1], strides = [1]} : vector<16xf32> to vector<1xf32>
          %squeeze3A_748 = vector.extract %slice3A_747[0] : f32 from vector<1xf32>
          %broadcast_in_dim3A_749 = vector.broadcast %while3A_549 : i32 to vector<16xi32>
          %broadcast_in_dim3A_750 = vector.broadcast %squeeze3A_748 : f32 to vector<16xf32>
          %iota3A_751 = tpu.iota {dimensions = array<i32: 0>} : vector<16xi32>
          %eq3A_752 = arith.constant 0 : i32
          %eq3A_753 = vector.broadcast %eq3A_752 : i32 to vector<16xi32>
          %eq3A_754 = arith.cmpi eq, %iota3A_751, %eq3A_753 : vector<16xi32>
          tpu.vector_store_idx %arg18[%broadcast_in_dim3A_749], %broadcast_in_dim3A_750 masked %eq3A_754 : memref<208xf32, #tpu.memory_space<vmem>>[vector<16xi32>], vector<16xf32>, vector<16xi1>
          %slice3A_755 = vector.extract_strided_slice %mul3A_670 {offsets = [0], sizes = [1], strides = [1]} : vector<16xf32> to vector<1xf32>
          %squeeze3A_756 = vector.extract %slice3A_755[0] : f32 from vector<1xf32>
          %broadcast_in_dim3A_757 = vector.broadcast %while3A_549 : i32 to vector<16xi32>
          %broadcast_in_dim3A_758 = vector.broadcast %squeeze3A_756 : f32 to vector<16xf32>
          %iota3A_759 = tpu.iota {dimensions = array<i32: 0>} : vector<16xi32>
          %eq3A_760 = arith.constant 0 : i32
          %eq3A_761 = vector.broadcast %eq3A_760 : i32 to vector<16xi32>
          %eq3A_762 = arith.cmpi eq, %iota3A_759, %eq3A_761 : vector<16xi32>
          tpu.vector_store_idx %arg19[%broadcast_in_dim3A_757], %broadcast_in_dim3A_758 masked %eq3A_762 : memref<208xf32, #tpu.memory_space<vmem>>[vector<16xi32>], vector<16xf32>, vector<16xi1>
        } else {
        }
        %jit3A_716 = arith.constant 1 : i32
        %jit3A_717 = arith.constant 0 : i32
        %select_n3A_718 = arith.select %and3A_712, %jit3A_716, %jit3A_717 : i32
        %add3A_719 = arith.addi %while3A_549, %select_n3A_718 : i32
        %jit3A_720 = arith.constant 1 : i32
        %jit3A_721 = arith.constant 0 : i32
        %select_n3A_722 = arith.select %gt3A_631, %jit3A_720, %jit3A_721 : i32
        scf.yield %add3A_719, %select_n3A_722 : i32, i32
      }
      %get3A = arith.constant 0 : index
      %get3A_206 = tpu.vector_load %arg9[%get3A] {strides = array<i32>} : memref<20480xf32, #tpu.memory_space<vmem>>, vector<16xf32>,
      %slice3A = vector.extract_strided_slice %get3A_206 {offsets = [0], sizes = [1], strides = [1]} : vector<16xf32> to vector<1xf32>
      %squeeze3A = vector.extract %slice3A[0] : f32 from vector<1xf32>
      %broadcast_in_dim3A_207 = vector.broadcast %squeeze3A : f32 to vector<16xf32>
      %get3A_208 = arith.constant 0 : index
      %get3A_209 = tpu.vector_load %arg10[%get3A_208] {strides = array<i32>} : memref<20480xf32, #tpu.memory_space<vmem>>, vector<16xf32>,
      %slice3A_210 = vector.extract_strided_slice %get3A_209 {offsets = [0], sizes = [1], strides = [1]} : vector<16xf32> to vector<1xf32>
      %squeeze3A_211 = vector.extract %slice3A_210[0] : f32 from vector<1xf32>
      %broadcast_in_dim3A_212 = vector.broadcast %squeeze3A_211 : f32 to vector<16xf32>
      %get3A_213 = arith.constant 0 : index
      %get3A_214 = tpu.vector_load %arg11[%get3A_213] {strides = array<i32>} : memref<20480xf32, #tpu.memory_space<vmem>>, vector<16xf32>,
      %slice3A_215 = vector.extract_strided_slice %get3A_214 {offsets = [0], sizes = [1], strides = [1]} : vector<16xf32> to vector<1xf32>
      %squeeze3A_216 = vector.extract %slice3A_215[0] : f32 from vector<1xf32>
      %broadcast_in_dim3A_217 = vector.broadcast %squeeze3A_216 : f32 to vector<16xf32>
      %get3A_218 = arith.constant 0 : index
      %get3A_219 = tpu.vector_load %arg12[%get3A_218] {strides = array<i32>} : memref<20480xf32, #tpu.memory_space<vmem>>, vector<16xf32>,
      %slice3A_220 = vector.extract_strided_slice %get3A_219 {offsets = [0], sizes = [1], strides = [1]} : vector<16xf32> to vector<1xf32>
      %squeeze3A_221 = vector.extract %slice3A_220[0] : f32 from vector<1xf32>
      %broadcast_in_dim3A_222 = vector.broadcast %squeeze3A_221 : f32 to vector<16xf32>
      %add3A_223 = arith.constant 0 : i32
      %add3A_224 = vector.broadcast %add3A_223 : i32 to vector<16xi32>
      %add3A_225 = arith.addi %add3A_224, %iota3A : vector<16xi32>
      %ge3A = vector.broadcast %while3A_205#0 : i32 to vector<16xi32>
      %ge3A_226 = arith.cmpi sge, %add3A_225, %ge3A : vector<16xi32>
      %get3A_227 = arith.constant 0 : index
      %get3A_228 = tpu.vector_load %arg15[%get3A_227] {strides = array<i32>} : memref<208xf32, #tpu.memory_space<vmem>>, vector<16xf32>,
      %select_n3A = arith.select %ge3A_226, %broadcast_in_dim3A_207, %get3A_228 : vector<16xi1>, vector<16xf32>
      %swap3A_229 = arith.constant 0 : index
      %swap3A_230 = tpu.vector_load %arg15[%swap3A_229] {strides = array<i32>} : memref<208xf32, #tpu.memory_space<vmem>>, vector<16xf32>,
      tpu.vector_store %arg15[%swap3A_229], %select_n3A {strides = array<i32>} : memref<208xf32, #tpu.memory_space<vmem>>, vector<16xf32>,
      %get3A_231 = arith.constant 0 : index
      %get3A_232 = tpu.vector_load %arg16[%get3A_231] {strides = array<i32>} : memref<208xf32, #tpu.memory_space<vmem>>, vector<16xf32>,
      %select_n3A_233 = arith.select %ge3A_226, %broadcast_in_dim3A_212, %get3A_232 : vector<16xi1>, vector<16xf32>
      %swap3A_234 = arith.constant 0 : index
      %swap3A_235 = tpu.vector_load %arg16[%swap3A_234] {strides = array<i32>} : memref<208xf32, #tpu.memory_space<vmem>>, vector<16xf32>,
      tpu.vector_store %arg16[%swap3A_234], %select_n3A_233 {strides = array<i32>} : memref<208xf32, #tpu.memory_space<vmem>>, vector<16xf32>,
      %get3A_236 = arith.constant 0 : index
      %get3A_237 = tpu.vector_load %arg17[%get3A_236] {strides = array<i32>} : memref<208xf32, #tpu.memory_space<vmem>>, vector<16xf32>,
      %select_n3A_238 = arith.select %ge3A_226, %broadcast_in_dim3A_217, %get3A_237 : vector<16xi1>, vector<16xf32>
      %swap3A_239 = arith.constant 0 : index
      %swap3A_240 = tpu.vector_load %arg17[%swap3A_239] {strides = array<i32>} : memref<208xf32, #tpu.memory_space<vmem>>, vector<16xf32>,
      tpu.vector_store %arg17[%swap3A_239], %select_n3A_238 {strides = array<i32>} : memref<208xf32, #tpu.memory_space<vmem>>, vector<16xf32>,
      %get3A_241 = arith.constant 0 : index
      %get3A_242 = tpu.vector_load %arg18[%get3A_241] {strides = array<i32>} : memref<208xf32, #tpu.memory_space<vmem>>, vector<16xf32>,
      %select_n3A_243 = arith.select %ge3A_226, %broadcast_in_dim3A_222, %get3A_242 : vector<16xi1>, vector<16xf32>
      %swap3A_244 = arith.constant 0 : index
      %swap3A_245 = tpu.vector_load %arg18[%swap3A_244] {strides = array<i32>} : memref<208xf32, #tpu.memory_space<vmem>>, vector<16xf32>,
      tpu.vector_store %arg18[%swap3A_244], %select_n3A_243 {strides = array<i32>} : memref<208xf32, #tpu.memory_space<vmem>>, vector<16xf32>,
      %add3A_246 = arith.constant 16 : i32
      %add3A_247 = vector.broadcast %add3A_246 : i32 to vector<16xi32>
      %add3A_248 = arith.addi %add3A_247, %iota3A : vector<16xi32>
      %ge3A_249 = vector.broadcast %while3A_205#0 : i32 to vector<16xi32>
      %ge3A_250 = arith.cmpi sge, %add3A_248, %ge3A_249 : vector<16xi32>
      %get3A_251 = arith.constant 16 : index
      %get3A_252 = tpu.vector_load %arg15[%get3A_251] {strides = array<i32>} : memref<208xf32, #tpu.memory_space<vmem>>, vector<16xf32>,
      %select_n3A_253 = arith.select %ge3A_250, %broadcast_in_dim3A_207, %get3A_252 : vector<16xi1>, vector<16xf32>
      %swap3A_254 = arith.constant 16 : index
      %swap3A_255 = tpu.vector_load %arg15[%swap3A_254] {strides = array<i32>} : memref<208xf32, #tpu.memory_space<vmem>>, vector<16xf32>,
      tpu.vector_store %arg15[%swap3A_254], %select_n3A_253 {strides = array<i32>} : memref<208xf32, #tpu.memory_space<vmem>>, vector<16xf32>,
      %get3A_256 = arith.constant 16 : index
      %get3A_257 = tpu.vector_load %arg16[%get3A_256] {strides = array<i32>} : memref<208xf32, #tpu.memory_space<vmem>>, vector<16xf32>,
      %select_n3A_258 = arith.select %ge3A_250, %broadcast_in_dim3A_212, %get3A_257 : vector<16xi1>, vector<16xf32>
      %swap3A_259 = arith.constant 16 : index
      %swap3A_260 = tpu.vector_load %arg16[%swap3A_259] {strides = array<i32>} : memref<208xf32, #tpu.memory_space<vmem>>, vector<16xf32>,
      tpu.vector_store %arg16[%swap3A_259], %select_n3A_258 {strides = array<i32>} : memref<208xf32, #tpu.memory_space<vmem>>, vector<16xf32>,
      %get3A_261 = arith.constant 16 : index
      %get3A_262 = tpu.vector_load %arg17[%get3A_261] {strides = array<i32>} : memref<208xf32, #tpu.memory_space<vmem>>, vector<16xf32>,
      %select_n3A_263 = arith.select %ge3A_250, %broadcast_in_dim3A_217, %get3A_262 : vector<16xi1>, vector<16xf32>
      %swap3A_264 = arith.constant 16 : index
      %swap3A_265 = tpu.vector_load %arg17[%swap3A_264] {strides = array<i32>} : memref<208xf32, #tpu.memory_space<vmem>>, vector<16xf32>,
      tpu.vector_store %arg17[%swap3A_264], %select_n3A_263 {strides = array<i32>} : memref<208xf32, #tpu.memory_space<vmem>>, vector<16xf32>,
      %get3A_266 = arith.constant 16 : index
      %get3A_267 = tpu.vector_load %arg18[%get3A_266] {strides = array<i32>} : memref<208xf32, #tpu.memory_space<vmem>>, vector<16xf32>,
      %select_n3A_268 = arith.select %ge3A_250, %broadcast_in_dim3A_222, %get3A_267 : vector<16xi1>, vector<16xf32>
      %swap3A_269 = arith.constant 16 : index
      %swap3A_270 = tpu.vector_load %arg18[%swap3A_269] {strides = array<i32>} : memref<208xf32, #tpu.memory_space<vmem>>, vector<16xf32>,
      tpu.vector_store %arg18[%swap3A_269], %select_n3A_268 {strides = array<i32>} : memref<208xf32, #tpu.memory_space<vmem>>, vector<16xf32>,
      %add3A_271 = arith.constant 32 : i32
      %add3A_272 = vector.broadcast %add3A_271 : i32 to vector<16xi32>
      %add3A_273 = arith.addi %add3A_272, %iota3A : vector<16xi32>
      %ge3A_274 = vector.broadcast %while3A_205#0 : i32 to vector<16xi32>
      %ge3A_275 = arith.cmpi sge, %add3A_273, %ge3A_274 : vector<16xi32>
      %get3A_276 = arith.constant 32 : index
      %get3A_277 = tpu.vector_load %arg15[%get3A_276] {strides = array<i32>} : memref<208xf32, #tpu.memory_space<vmem>>, vector<16xf32>,
      %select_n3A_278 = arith.select %ge3A_275, %broadcast_in_dim3A_207, %get3A_277 : vector<16xi1>, vector<16xf32>
      %swap3A_279 = arith.constant 32 : index
      %swap3A_280 = tpu.vector_load %arg15[%swap3A_279] {strides = array<i32>} : memref<208xf32, #tpu.memory_space<vmem>>, vector<16xf32>,
      tpu.vector_store %arg15[%swap3A_279], %select_n3A_278 {strides = array<i32>} : memref<208xf32, #tpu.memory_space<vmem>>, vector<16xf32>,
      %get3A_281 = arith.constant 32 : index
      %get3A_282 = tpu.vector_load %arg16[%get3A_281] {strides = array<i32>} : memref<208xf32, #tpu.memory_space<vmem>>, vector<16xf32>,
      %select_n3A_283 = arith.select %ge3A_275, %broadcast_in_dim3A_212, %get3A_282 : vector<16xi1>, vector<16xf32>
      %swap3A_284 = arith.constant 32 : index
      %swap3A_285 = tpu.vector_load %arg16[%swap3A_284] {strides = array<i32>} : memref<208xf32, #tpu.memory_space<vmem>>, vector<16xf32>,
      tpu.vector_store %arg16[%swap3A_284], %select_n3A_283 {strides = array<i32>} : memref<208xf32, #tpu.memory_space<vmem>>, vector<16xf32>,
      %get3A_286 = arith.constant 32 : index
      %get3A_287 = tpu.vector_load %arg17[%get3A_286] {strides = array<i32>} : memref<208xf32, #tpu.memory_space<vmem>>, vector<16xf32>,
      %select_n3A_288 = arith.select %ge3A_275, %broadcast_in_dim3A_217, %get3A_287 : vector<16xi1>, vector<16xf32>
      %swap3A_289 = arith.constant 32 : index
      %swap3A_290 = tpu.vector_load %arg17[%swap3A_289] {strides = array<i32>} : memref<208xf32, #tpu.memory_space<vmem>>, vector<16xf32>,
      tpu.vector_store %arg17[%swap3A_289], %select_n3A_288 {strides = array<i32>} : memref<208xf32, #tpu.memory_space<vmem>>, vector<16xf32>,
      %get3A_291 = arith.constant 32 : index
      %get3A_292 = tpu.vector_load %arg18[%get3A_291] {strides = array<i32>} : memref<208xf32, #tpu.memory_space<vmem>>, vector<16xf32>,
      %select_n3A_293 = arith.select %ge3A_275, %broadcast_in_dim3A_222, %get3A_292 : vector<16xi1>, vector<16xf32>
      %swap3A_294 = arith.constant 32 : index
      %swap3A_295 = tpu.vector_load %arg18[%swap3A_294] {strides = array<i32>} : memref<208xf32, #tpu.memory_space<vmem>>, vector<16xf32>,
      tpu.vector_store %arg18[%swap3A_294], %select_n3A_293 {strides = array<i32>} : memref<208xf32, #tpu.memory_space<vmem>>, vector<16xf32>,
      %add3A_296 = arith.constant 48 : i32
      %add3A_297 = vector.broadcast %add3A_296 : i32 to vector<16xi32>
      %add3A_298 = arith.addi %add3A_297, %iota3A : vector<16xi32>
      %ge3A_299 = vector.broadcast %while3A_205#0 : i32 to vector<16xi32>
      %ge3A_300 = arith.cmpi sge, %add3A_298, %ge3A_299 : vector<16xi32>
      %get3A_301 = arith.constant 48 : index
      %get3A_302 = tpu.vector_load %arg15[%get3A_301] {strides = array<i32>} : memref<208xf32, #tpu.memory_space<vmem>>, vector<16xf32>,
      %select_n3A_303 = arith.select %ge3A_300, %broadcast_in_dim3A_207, %get3A_302 : vector<16xi1>, vector<16xf32>
      %swap3A_304 = arith.constant 48 : index
      %swap3A_305 = tpu.vector_load %arg15[%swap3A_304] {strides = array<i32>} : memref<208xf32, #tpu.memory_space<vmem>>, vector<16xf32>,
      tpu.vector_store %arg15[%swap3A_304], %select_n3A_303 {strides = array<i32>} : memref<208xf32, #tpu.memory_space<vmem>>, vector<16xf32>,
      %get3A_306 = arith.constant 48 : index
      %get3A_307 = tpu.vector_load %arg16[%get3A_306] {strides = array<i32>} : memref<208xf32, #tpu.memory_space<vmem>>, vector<16xf32>,
      %select_n3A_308 = arith.select %ge3A_300, %broadcast_in_dim3A_212, %get3A_307 : vector<16xi1>, vector<16xf32>
      %swap3A_309 = arith.constant 48 : index
      %swap3A_310 = tpu.vector_load %arg16[%swap3A_309] {strides = array<i32>} : memref<208xf32, #tpu.memory_space<vmem>>, vector<16xf32>,
      tpu.vector_store %arg16[%swap3A_309], %select_n3A_308 {strides = array<i32>} : memref<208xf32, #tpu.memory_space<vmem>>, vector<16xf32>,
      %get3A_311 = arith.constant 48 : index
      %get3A_312 = tpu.vector_load %arg17[%get3A_311] {strides = array<i32>} : memref<208xf32, #tpu.memory_space<vmem>>, vector<16xf32>,
      %select_n3A_313 = arith.select %ge3A_300, %broadcast_in_dim3A_217, %get3A_312 : vector<16xi1>, vector<16xf32>
      %swap3A_314 = arith.constant 48 : index
      %swap3A_315 = tpu.vector_load %arg17[%swap3A_314] {strides = array<i32>} : memref<208xf32, #tpu.memory_space<vmem>>, vector<16xf32>,
      tpu.vector_store %arg17[%swap3A_314], %select_n3A_313 {strides = array<i32>} : memref<208xf32, #tpu.memory_space<vmem>>, vector<16xf32>,
      %get3A_316 = arith.constant 48 : index
      %get3A_317 = tpu.vector_load %arg18[%get3A_316] {strides = array<i32>} : memref<208xf32, #tpu.memory_space<vmem>>, vector<16xf32>,
      %select_n3A_318 = arith.select %ge3A_300, %broadcast_in_dim3A_222, %get3A_317 : vector<16xi1>, vector<16xf32>
      %swap3A_319 = arith.constant 48 : index
      %swap3A_320 = tpu.vector_load %arg18[%swap3A_319] {strides = array<i32>} : memref<208xf32, #tpu.memory_space<vmem>>, vector<16xf32>,
      tpu.vector_store %arg18[%swap3A_319], %select_n3A_318 {strides = array<i32>} : memref<208xf32, #tpu.memory_space<vmem>>, vector<16xf32>,
      %add3A_321 = arith.constant 64 : i32
      %add3A_322 = vector.broadcast %add3A_321 : i32 to vector<16xi32>
      %add3A_323 = arith.addi %add3A_322, %iota3A : vector<16xi32>
      %ge3A_324 = vector.broadcast %while3A_205#0 : i32 to vector<16xi32>
      %ge3A_325 = arith.cmpi sge, %add3A_323, %ge3A_324 : vector<16xi32>
      %get3A_326 = arith.constant 64 : index
      %get3A_327 = tpu.vector_load %arg15[%get3A_326] {strides = array<i32>} : memref<208xf32, #tpu.memory_space<vmem>>, vector<16xf32>,
      %select_n3A_328 = arith.select %ge3A_325, %broadcast_in_dim3A_207, %get3A_327 : vector<16xi1>, vector<16xf32>
      %swap3A_329 = arith.constant 64 : index
      %swap3A_330 = tpu.vector_load %arg15[%swap3A_329] {strides = array<i32>} : memref<208xf32, #tpu.memory_space<vmem>>, vector<16xf32>,
      tpu.vector_store %arg15[%swap3A_329], %select_n3A_328 {strides = array<i32>} : memref<208xf32, #tpu.memory_space<vmem>>, vector<16xf32>,
      %get3A_331 = arith.constant 64 : index
      %get3A_332 = tpu.vector_load %arg16[%get3A_331] {strides = array<i32>} : memref<208xf32, #tpu.memory_space<vmem>>, vector<16xf32>,
      %select_n3A_333 = arith.select %ge3A_325, %broadcast_in_dim3A_212, %get3A_332 : vector<16xi1>, vector<16xf32>
      %swap3A_334 = arith.constant 64 : index
      %swap3A_335 = tpu.vector_load %arg16[%swap3A_334] {strides = array<i32>} : memref<208xf32, #tpu.memory_space<vmem>>, vector<16xf32>,
      tpu.vector_store %arg16[%swap3A_334], %select_n3A_333 {strides = array<i32>} : memref<208xf32, #tpu.memory_space<vmem>>, vector<16xf32>,
      %get3A_336 = arith.constant 64 : index
      %get3A_337 = tpu.vector_load %arg17[%get3A_336] {strides = array<i32>} : memref<208xf32, #tpu.memory_space<vmem>>, vector<16xf32>,
      %select_n3A_338 = arith.select %ge3A_325, %broadcast_in_dim3A_217, %get3A_337 : vector<16xi1>, vector<16xf32>
      %swap3A_339 = arith.constant 64 : index
      %swap3A_340 = tpu.vector_load %arg17[%swap3A_339] {strides = array<i32>} : memref<208xf32, #tpu.memory_space<vmem>>, vector<16xf32>,
      tpu.vector_store %arg17[%swap3A_339], %select_n3A_338 {strides = array<i32>} : memref<208xf32, #tpu.memory_space<vmem>>, vector<16xf32>,
      %get3A_341 = arith.constant 64 : index
      %get3A_342 = tpu.vector_load %arg18[%get3A_341] {strides = array<i32>} : memref<208xf32, #tpu.memory_space<vmem>>, vector<16xf32>,
      %select_n3A_343 = arith.select %ge3A_325, %broadcast_in_dim3A_222, %get3A_342 : vector<16xi1>, vector<16xf32>
      %swap3A_344 = arith.constant 64 : index
      %swap3A_345 = tpu.vector_load %arg18[%swap3A_344] {strides = array<i32>} : memref<208xf32, #tpu.memory_space<vmem>>, vector<16xf32>,
      tpu.vector_store %arg18[%swap3A_344], %select_n3A_343 {strides = array<i32>} : memref<208xf32, #tpu.memory_space<vmem>>, vector<16xf32>,
      %add3A_346 = arith.constant 80 : i32
      %add3A_347 = vector.broadcast %add3A_346 : i32 to vector<16xi32>
      %add3A_348 = arith.addi %add3A_347, %iota3A : vector<16xi32>
      %ge3A_349 = vector.broadcast %while3A_205#0 : i32 to vector<16xi32>
      %ge3A_350 = arith.cmpi sge, %add3A_348, %ge3A_349 : vector<16xi32>
      %get3A_351 = arith.constant 80 : index
      %get3A_352 = tpu.vector_load %arg15[%get3A_351] {strides = array<i32>} : memref<208xf32, #tpu.memory_space<vmem>>, vector<16xf32>,
      %select_n3A_353 = arith.select %ge3A_350, %broadcast_in_dim3A_207, %get3A_352 : vector<16xi1>, vector<16xf32>
      %swap3A_354 = arith.constant 80 : index
      %swap3A_355 = tpu.vector_load %arg15[%swap3A_354] {strides = array<i32>} : memref<208xf32, #tpu.memory_space<vmem>>, vector<16xf32>,
      tpu.vector_store %arg15[%swap3A_354], %select_n3A_353 {strides = array<i32>} : memref<208xf32, #tpu.memory_space<vmem>>, vector<16xf32>,
      %get3A_356 = arith.constant 80 : index
      %get3A_357 = tpu.vector_load %arg16[%get3A_356] {strides = array<i32>} : memref<208xf32, #tpu.memory_space<vmem>>, vector<16xf32>,
      %select_n3A_358 = arith.select %ge3A_350, %broadcast_in_dim3A_212, %get3A_357 : vector<16xi1>, vector<16xf32>
      %swap3A_359 = arith.constant 80 : index
      %swap3A_360 = tpu.vector_load %arg16[%swap3A_359] {strides = array<i32>} : memref<208xf32, #tpu.memory_space<vmem>>, vector<16xf32>,
      tpu.vector_store %arg16[%swap3A_359], %select_n3A_358 {strides = array<i32>} : memref<208xf32, #tpu.memory_space<vmem>>, vector<16xf32>,
      %get3A_361 = arith.constant 80 : index
      %get3A_362 = tpu.vector_load %arg17[%get3A_361] {strides = array<i32>} : memref<208xf32, #tpu.memory_space<vmem>>, vector<16xf32>,
      %select_n3A_363 = arith.select %ge3A_350, %broadcast_in_dim3A_217, %get3A_362 : vector<16xi1>, vector<16xf32>
      %swap3A_364 = arith.constant 80 : index
      %swap3A_365 = tpu.vector_load %arg17[%swap3A_364] {strides = array<i32>} : memref<208xf32, #tpu.memory_space<vmem>>, vector<16xf32>,
      tpu.vector_store %arg17[%swap3A_364], %select_n3A_363 {strides = array<i32>} : memref<208xf32, #tpu.memory_space<vmem>>, vector<16xf32>,
      %get3A_366 = arith.constant 80 : index
      %get3A_367 = tpu.vector_load %arg18[%get3A_366] {strides = array<i32>} : memref<208xf32, #tpu.memory_space<vmem>>, vector<16xf32>,
      %select_n3A_368 = arith.select %ge3A_350, %broadcast_in_dim3A_222, %get3A_367 : vector<16xi1>, vector<16xf32>
      %swap3A_369 = arith.constant 80 : index
      %swap3A_370 = tpu.vector_load %arg18[%swap3A_369] {strides = array<i32>} : memref<208xf32, #tpu.memory_space<vmem>>, vector<16xf32>,
      tpu.vector_store %arg18[%swap3A_369], %select_n3A_368 {strides = array<i32>} : memref<208xf32, #tpu.memory_space<vmem>>, vector<16xf32>,
      %add3A_371 = arith.constant 96 : i32
      %add3A_372 = vector.broadcast %add3A_371 : i32 to vector<16xi32>
      %add3A_373 = arith.addi %add3A_372, %iota3A : vector<16xi32>
      %ge3A_374 = vector.broadcast %while3A_205#0 : i32 to vector<16xi32>
      %ge3A_375 = arith.cmpi sge, %add3A_373, %ge3A_374 : vector<16xi32>
      %get3A_376 = arith.constant 96 : index
      %get3A_377 = tpu.vector_load %arg15[%get3A_376] {strides = array<i32>} : memref<208xf32, #tpu.memory_space<vmem>>, vector<16xf32>,
      %select_n3A_378 = arith.select %ge3A_375, %broadcast_in_dim3A_207, %get3A_377 : vector<16xi1>, vector<16xf32>
      %swap3A_379 = arith.constant 96 : index
      %swap3A_380 = tpu.vector_load %arg15[%swap3A_379] {strides = array<i32>} : memref<208xf32, #tpu.memory_space<vmem>>, vector<16xf32>,
      tpu.vector_store %arg15[%swap3A_379], %select_n3A_378 {strides = array<i32>} : memref<208xf32, #tpu.memory_space<vmem>>, vector<16xf32>,
      %get3A_381 = arith.constant 96 : index
      %get3A_382 = tpu.vector_load %arg16[%get3A_381] {strides = array<i32>} : memref<208xf32, #tpu.memory_space<vmem>>, vector<16xf32>,
      %select_n3A_383 = arith.select %ge3A_375, %broadcast_in_dim3A_212, %get3A_382 : vector<16xi1>, vector<16xf32>
      %swap3A_384 = arith.constant 96 : index
      %swap3A_385 = tpu.vector_load %arg16[%swap3A_384] {strides = array<i32>} : memref<208xf32, #tpu.memory_space<vmem>>, vector<16xf32>,
      tpu.vector_store %arg16[%swap3A_384], %select_n3A_383 {strides = array<i32>} : memref<208xf32, #tpu.memory_space<vmem>>, vector<16xf32>,
      %get3A_386 = arith.constant 96 : index
      %get3A_387 = tpu.vector_load %arg17[%get3A_386] {strides = array<i32>} : memref<208xf32, #tpu.memory_space<vmem>>, vector<16xf32>,
      %select_n3A_388 = arith.select %ge3A_375, %broadcast_in_dim3A_217, %get3A_387 : vector<16xi1>, vector<16xf32>
      %swap3A_389 = arith.constant 96 : index
      %swap3A_390 = tpu.vector_load %arg17[%swap3A_389] {strides = array<i32>} : memref<208xf32, #tpu.memory_space<vmem>>, vector<16xf32>,
      tpu.vector_store %arg17[%swap3A_389], %select_n3A_388 {strides = array<i32>} : memref<208xf32, #tpu.memory_space<vmem>>, vector<16xf32>,
      %get3A_391 = arith.constant 96 : index
      %get3A_392 = tpu.vector_load %arg18[%get3A_391] {strides = array<i32>} : memref<208xf32, #tpu.memory_space<vmem>>, vector<16xf32>,
      %select_n3A_393 = arith.select %ge3A_375, %broadcast_in_dim3A_222, %get3A_392 : vector<16xi1>, vector<16xf32>
      %swap3A_394 = arith.constant 96 : index
      %swap3A_395 = tpu.vector_load %arg18[%swap3A_394] {strides = array<i32>} : memref<208xf32, #tpu.memory_space<vmem>>, vector<16xf32>,
      tpu.vector_store %arg18[%swap3A_394], %select_n3A_393 {strides = array<i32>} : memref<208xf32, #tpu.memory_space<vmem>>, vector<16xf32>,
      %add3A_396 = arith.constant 112 : i32
      %add3A_397 = vector.broadcast %add3A_396 : i32 to vector<16xi32>
      %add3A_398 = arith.addi %add3A_397, %iota3A : vector<16xi32>
      %ge3A_399 = vector.broadcast %while3A_205#0 : i32 to vector<16xi32>
      %ge3A_400 = arith.cmpi sge, %add3A_398, %ge3A_399 : vector<16xi32>
      %get3A_401 = arith.constant 112 : index
      %get3A_402 = tpu.vector_load %arg15[%get3A_401] {strides = array<i32>} : memref<208xf32, #tpu.memory_space<vmem>>, vector<16xf32>,
      %select_n3A_403 = arith.select %ge3A_400, %broadcast_in_dim3A_207, %get3A_402 : vector<16xi1>, vector<16xf32>
      %swap3A_404 = arith.constant 112 : index
      %swap3A_405 = tpu.vector_load %arg15[%swap3A_404] {strides = array<i32>} : memref<208xf32, #tpu.memory_space<vmem>>, vector<16xf32>,
      tpu.vector_store %arg15[%swap3A_404], %select_n3A_403 {strides = array<i32>} : memref<208xf32, #tpu.memory_space<vmem>>, vector<16xf32>,
      %get3A_406 = arith.constant 112 : index
      %get3A_407 = tpu.vector_load %arg16[%get3A_406] {strides = array<i32>} : memref<208xf32, #tpu.memory_space<vmem>>, vector<16xf32>,
      %select_n3A_408 = arith.select %ge3A_400, %broadcast_in_dim3A_212, %get3A_407 : vector<16xi1>, vector<16xf32>
      %swap3A_409 = arith.constant 112 : index
      %swap3A_410 = tpu.vector_load %arg16[%swap3A_409] {strides = array<i32>} : memref<208xf32, #tpu.memory_space<vmem>>, vector<16xf32>,
      tpu.vector_store %arg16[%swap3A_409], %select_n3A_408 {strides = array<i32>} : memref<208xf32, #tpu.memory_space<vmem>>, vector<16xf32>,
      %get3A_411 = arith.constant 112 : index
      %get3A_412 = tpu.vector_load %arg17[%get3A_411] {strides = array<i32>} : memref<208xf32, #tpu.memory_space<vmem>>, vector<16xf32>,
      %select_n3A_413 = arith.select %ge3A_400, %broadcast_in_dim3A_217, %get3A_412 : vector<16xi1>, vector<16xf32>
      %swap3A_414 = arith.constant 112 : index
      %swap3A_415 = tpu.vector_load %arg17[%swap3A_414] {strides = array<i32>} : memref<208xf32, #tpu.memory_space<vmem>>, vector<16xf32>,
      tpu.vector_store %arg17[%swap3A_414], %select_n3A_413 {strides = array<i32>} : memref<208xf32, #tpu.memory_space<vmem>>, vector<16xf32>,
      %get3A_416 = arith.constant 112 : index
      %get3A_417 = tpu.vector_load %arg18[%get3A_416] {strides = array<i32>} : memref<208xf32, #tpu.memory_space<vmem>>, vector<16xf32>,
      %select_n3A_418 = arith.select %ge3A_400, %broadcast_in_dim3A_222, %get3A_417 : vector<16xi1>, vector<16xf32>
      %swap3A_419 = arith.constant 112 : index
      %swap3A_420 = tpu.vector_load %arg18[%swap3A_419] {strides = array<i32>} : memref<208xf32, #tpu.memory_space<vmem>>, vector<16xf32>,
      tpu.vector_store %arg18[%swap3A_419], %select_n3A_418 {strides = array<i32>} : memref<208xf32, #tpu.memory_space<vmem>>, vector<16xf32>,
      %add3A_421 = arith.constant 128 : i32
      %add3A_422 = vector.broadcast %add3A_421 : i32 to vector<16xi32>
      %add3A_423 = arith.addi %add3A_422, %iota3A : vector<16xi32>
      %ge3A_424 = vector.broadcast %while3A_205#0 : i32 to vector<16xi32>
      %ge3A_425 = arith.cmpi sge, %add3A_423, %ge3A_424 : vector<16xi32>
      %get3A_426 = arith.constant 128 : index
      %get3A_427 = tpu.vector_load %arg15[%get3A_426] {strides = array<i32>} : memref<208xf32, #tpu.memory_space<vmem>>, vector<16xf32>,
      %select_n3A_428 = arith.select %ge3A_425, %broadcast_in_dim3A_207, %get3A_427 : vector<16xi1>, vector<16xf32>
      %swap3A_429 = arith.constant 128 : index
      %swap3A_430 = tpu.vector_load %arg15[%swap3A_429] {strides = array<i32>} : memref<208xf32, #tpu.memory_space<vmem>>, vector<16xf32>,
      tpu.vector_store %arg15[%swap3A_429], %select_n3A_428 {strides = array<i32>} : memref<208xf32, #tpu.memory_space<vmem>>, vector<16xf32>,
      %get3A_431 = arith.constant 128 : index
      %get3A_432 = tpu.vector_load %arg16[%get3A_431] {strides = array<i32>} : memref<208xf32, #tpu.memory_space<vmem>>, vector<16xf32>,
      %select_n3A_433 = arith.select %ge3A_425, %broadcast_in_dim3A_212, %get3A_432 : vector<16xi1>, vector<16xf32>
      %swap3A_434 = arith.constant 128 : index
      %swap3A_435 = tpu.vector_load %arg16[%swap3A_434] {strides = array<i32>} : memref<208xf32, #tpu.memory_space<vmem>>, vector<16xf32>,
      tpu.vector_store %arg16[%swap3A_434], %select_n3A_433 {strides = array<i32>} : memref<208xf32, #tpu.memory_space<vmem>>, vector<16xf32>,
      %get3A_436 = arith.constant 128 : index
      %get3A_437 = tpu.vector_load %arg17[%get3A_436] {strides = array<i32>} : memref<208xf32, #tpu.memory_space<vmem>>, vector<16xf32>,
      %select_n3A_438 = arith.select %ge3A_425, %broadcast_in_dim3A_217, %get3A_437 : vector<16xi1>, vector<16xf32>
      %swap3A_439 = arith.constant 128 : index
      %swap3A_440 = tpu.vector_load %arg17[%swap3A_439] {strides = array<i32>} : memref<208xf32, #tpu.memory_space<vmem>>, vector<16xf32>,
      tpu.vector_store %arg17[%swap3A_439], %select_n3A_438 {strides = array<i32>} : memref<208xf32, #tpu.memory_space<vmem>>, vector<16xf32>,
      %get3A_441 = arith.constant 128 : index
      %get3A_442 = tpu.vector_load %arg18[%get3A_441] {strides = array<i32>} : memref<208xf32, #tpu.memory_space<vmem>>, vector<16xf32>,
      %select_n3A_443 = arith.select %ge3A_425, %broadcast_in_dim3A_222, %get3A_442 : vector<16xi1>, vector<16xf32>
      %swap3A_444 = arith.constant 128 : index
      %swap3A_445 = tpu.vector_load %arg18[%swap3A_444] {strides = array<i32>} : memref<208xf32, #tpu.memory_space<vmem>>, vector<16xf32>,
      tpu.vector_store %arg18[%swap3A_444], %select_n3A_443 {strides = array<i32>} : memref<208xf32, #tpu.memory_space<vmem>>, vector<16xf32>,
      %add3A_446 = arith.constant 144 : i32
      %add3A_447 = vector.broadcast %add3A_446 : i32 to vector<16xi32>
      %add3A_448 = arith.addi %add3A_447, %iota3A : vector<16xi32>
      %ge3A_449 = vector.broadcast %while3A_205#0 : i32 to vector<16xi32>
      %ge3A_450 = arith.cmpi sge, %add3A_448, %ge3A_449 : vector<16xi32>
      %get3A_451 = arith.constant 144 : index
      %get3A_452 = tpu.vector_load %arg15[%get3A_451] {strides = array<i32>} : memref<208xf32, #tpu.memory_space<vmem>>, vector<16xf32>,
      %select_n3A_453 = arith.select %ge3A_450, %broadcast_in_dim3A_207, %get3A_452 : vector<16xi1>, vector<16xf32>
      %swap3A_454 = arith.constant 144 : index
      %swap3A_455 = tpu.vector_load %arg15[%swap3A_454] {strides = array<i32>} : memref<208xf32, #tpu.memory_space<vmem>>, vector<16xf32>,
      tpu.vector_store %arg15[%swap3A_454], %select_n3A_453 {strides = array<i32>} : memref<208xf32, #tpu.memory_space<vmem>>, vector<16xf32>,
      %get3A_456 = arith.constant 144 : index
      %get3A_457 = tpu.vector_load %arg16[%get3A_456] {strides = array<i32>} : memref<208xf32, #tpu.memory_space<vmem>>, vector<16xf32>,
      %select_n3A_458 = arith.select %ge3A_450, %broadcast_in_dim3A_212, %get3A_457 : vector<16xi1>, vector<16xf32>
      %swap3A_459 = arith.constant 144 : index
      %swap3A_460 = tpu.vector_load %arg16[%swap3A_459] {strides = array<i32>} : memref<208xf32, #tpu.memory_space<vmem>>, vector<16xf32>,
      tpu.vector_store %arg16[%swap3A_459], %select_n3A_458 {strides = array<i32>} : memref<208xf32, #tpu.memory_space<vmem>>, vector<16xf32>,
      %get3A_461 = arith.constant 144 : index
      %get3A_462 = tpu.vector_load %arg17[%get3A_461] {strides = array<i32>} : memref<208xf32, #tpu.memory_space<vmem>>, vector<16xf32>,
      %select_n3A_463 = arith.select %ge3A_450, %broadcast_in_dim3A_217, %get3A_462 : vector<16xi1>, vector<16xf32>
      %swap3A_464 = arith.constant 144 : index
      %swap3A_465 = tpu.vector_load %arg17[%swap3A_464] {strides = array<i32>} : memref<208xf32, #tpu.memory_space<vmem>>, vector<16xf32>,
      tpu.vector_store %arg17[%swap3A_464], %select_n3A_463 {strides = array<i32>} : memref<208xf32, #tpu.memory_space<vmem>>, vector<16xf32>,
      %get3A_466 = arith.constant 144 : index
      %get3A_467 = tpu.vector_load %arg18[%get3A_466] {strides = array<i32>} : memref<208xf32, #tpu.memory_space<vmem>>, vector<16xf32>,
      %select_n3A_468 = arith.select %ge3A_450, %broadcast_in_dim3A_222, %get3A_467 : vector<16xi1>, vector<16xf32>
      %swap3A_469 = arith.constant 144 : index
      %swap3A_470 = tpu.vector_load %arg18[%swap3A_469] {strides = array<i32>} : memref<208xf32, #tpu.memory_space<vmem>>, vector<16xf32>,
      tpu.vector_store %arg18[%swap3A_469], %select_n3A_468 {strides = array<i32>} : memref<208xf32, #tpu.memory_space<vmem>>, vector<16xf32>,
      %add3A_471 = arith.constant 160 : i32
      %add3A_472 = vector.broadcast %add3A_471 : i32 to vector<16xi32>
      %add3A_473 = arith.addi %add3A_472, %iota3A : vector<16xi32>
      %ge3A_474 = vector.broadcast %while3A_205#0 : i32 to vector<16xi32>
      %ge3A_475 = arith.cmpi sge, %add3A_473, %ge3A_474 : vector<16xi32>
      %get3A_476 = arith.constant 160 : index
      %get3A_477 = tpu.vector_load %arg15[%get3A_476] {strides = array<i32>} : memref<208xf32, #tpu.memory_space<vmem>>, vector<16xf32>,
      %select_n3A_478 = arith.select %ge3A_475, %broadcast_in_dim3A_207, %get3A_477 : vector<16xi1>, vector<16xf32>
      %swap3A_479 = arith.constant 160 : index
      %swap3A_480 = tpu.vector_load %arg15[%swap3A_479] {strides = array<i32>} : memref<208xf32, #tpu.memory_space<vmem>>, vector<16xf32>,
      tpu.vector_store %arg15[%swap3A_479], %select_n3A_478 {strides = array<i32>} : memref<208xf32, #tpu.memory_space<vmem>>, vector<16xf32>,
      %get3A_481 = arith.constant 160 : index
      %get3A_482 = tpu.vector_load %arg16[%get3A_481] {strides = array<i32>} : memref<208xf32, #tpu.memory_space<vmem>>, vector<16xf32>,
      %select_n3A_483 = arith.select %ge3A_475, %broadcast_in_dim3A_212, %get3A_482 : vector<16xi1>, vector<16xf32>
      %swap3A_484 = arith.constant 160 : index
      %swap3A_485 = tpu.vector_load %arg16[%swap3A_484] {strides = array<i32>} : memref<208xf32, #tpu.memory_space<vmem>>, vector<16xf32>,
      tpu.vector_store %arg16[%swap3A_484], %select_n3A_483 {strides = array<i32>} : memref<208xf32, #tpu.memory_space<vmem>>, vector<16xf32>,
      %get3A_486 = arith.constant 160 : index
      %get3A_487 = tpu.vector_load %arg17[%get3A_486] {strides = array<i32>} : memref<208xf32, #tpu.memory_space<vmem>>, vector<16xf32>,
      %select_n3A_488 = arith.select %ge3A_475, %broadcast_in_dim3A_217, %get3A_487 : vector<16xi1>, vector<16xf32>
      %swap3A_489 = arith.constant 160 : index
      %swap3A_490 = tpu.vector_load %arg17[%swap3A_489] {strides = array<i32>} : memref<208xf32, #tpu.memory_space<vmem>>, vector<16xf32>,
      tpu.vector_store %arg17[%swap3A_489], %select_n3A_488 {strides = array<i32>} : memref<208xf32, #tpu.memory_space<vmem>>, vector<16xf32>,
      %get3A_491 = arith.constant 160 : index
      %get3A_492 = tpu.vector_load %arg18[%get3A_491] {strides = array<i32>} : memref<208xf32, #tpu.memory_space<vmem>>, vector<16xf32>,
      %select_n3A_493 = arith.select %ge3A_475, %broadcast_in_dim3A_222, %get3A_492 : vector<16xi1>, vector<16xf32>
      %swap3A_494 = arith.constant 160 : index
      %swap3A_495 = tpu.vector_load %arg18[%swap3A_494] {strides = array<i32>} : memref<208xf32, #tpu.memory_space<vmem>>, vector<16xf32>,
      tpu.vector_store %arg18[%swap3A_494], %select_n3A_493 {strides = array<i32>} : memref<208xf32, #tpu.memory_space<vmem>>, vector<16xf32>,
      %add3A_496 = arith.constant 176 : i32
      %add3A_497 = vector.broadcast %add3A_496 : i32 to vector<16xi32>
      %add3A_498 = arith.addi %add3A_497, %iota3A : vector<16xi32>
      %ge3A_499 = vector.broadcast %while3A_205#0 : i32 to vector<16xi32>
      %ge3A_500 = arith.cmpi sge, %add3A_498, %ge3A_499 : vector<16xi32>
      %get3A_501 = arith.constant 176 : index
      %get3A_502 = tpu.vector_load %arg15[%get3A_501] {strides = array<i32>} : memref<208xf32, #tpu.memory_space<vmem>>, vector<16xf32>,
      %select_n3A_503 = arith.select %ge3A_500, %broadcast_in_dim3A_207, %get3A_502 : vector<16xi1>, vector<16xf32>
      %swap3A_504 = arith.constant 176 : index
      %swap3A_505 = tpu.vector_load %arg15[%swap3A_504] {strides = array<i32>} : memref<208xf32, #tpu.memory_space<vmem>>, vector<16xf32>,
      tpu.vector_store %arg15[%swap3A_504], %select_n3A_503 {strides = array<i32>} : memref<208xf32, #tpu.memory_space<vmem>>, vector<16xf32>,
      %get3A_506 = arith.constant 176 : index
      %get3A_507 = tpu.vector_load %arg16[%get3A_506] {strides = array<i32>} : memref<208xf32, #tpu.memory_space<vmem>>, vector<16xf32>,
      %select_n3A_508 = arith.select %ge3A_500, %broadcast_in_dim3A_212, %get3A_507 : vector<16xi1>, vector<16xf32>
      %swap3A_509 = arith.constant 176 : index
      %swap3A_510 = tpu.vector_load %arg16[%swap3A_509] {strides = array<i32>} : memref<208xf32, #tpu.memory_space<vmem>>, vector<16xf32>,
      tpu.vector_store %arg16[%swap3A_509], %select_n3A_508 {strides = array<i32>} : memref<208xf32, #tpu.memory_space<vmem>>, vector<16xf32>,
      %get3A_511 = arith.constant 176 : index
      %get3A_512 = tpu.vector_load %arg17[%get3A_511] {strides = array<i32>} : memref<208xf32, #tpu.memory_space<vmem>>, vector<16xf32>,
      %select_n3A_513 = arith.select %ge3A_500, %broadcast_in_dim3A_217, %get3A_512 : vector<16xi1>, vector<16xf32>
      %swap3A_514 = arith.constant 176 : index
      %swap3A_515 = tpu.vector_load %arg17[%swap3A_514] {strides = array<i32>} : memref<208xf32, #tpu.memory_space<vmem>>, vector<16xf32>,
      tpu.vector_store %arg17[%swap3A_514], %select_n3A_513 {strides = array<i32>} : memref<208xf32, #tpu.memory_space<vmem>>, vector<16xf32>,
      %get3A_516 = arith.constant 176 : index
      %get3A_517 = tpu.vector_load %arg18[%get3A_516] {strides = array<i32>} : memref<208xf32, #tpu.memory_space<vmem>>, vector<16xf32>,
      %select_n3A_518 = arith.select %ge3A_500, %broadcast_in_dim3A_222, %get3A_517 : vector<16xi1>, vector<16xf32>
      %swap3A_519 = arith.constant 176 : index
      %swap3A_520 = tpu.vector_load %arg18[%swap3A_519] {strides = array<i32>} : memref<208xf32, #tpu.memory_space<vmem>>, vector<16xf32>,
      tpu.vector_store %arg18[%swap3A_519], %select_n3A_518 {strides = array<i32>} : memref<208xf32, #tpu.memory_space<vmem>>, vector<16xf32>,
      %add3A_521 = arith.constant 192 : i32
      %add3A_522 = vector.broadcast %add3A_521 : i32 to vector<16xi32>
      %add3A_523 = arith.addi %add3A_522, %iota3A : vector<16xi32>
      %ge3A_524 = vector.broadcast %while3A_205#0 : i32 to vector<16xi32>
      %ge3A_525 = arith.cmpi sge, %add3A_523, %ge3A_524 : vector<16xi32>
      %get3A_526 = arith.constant 192 : index
      %get3A_527 = tpu.vector_load %arg15[%get3A_526] {strides = array<i32>} : memref<208xf32, #tpu.memory_space<vmem>>, vector<16xf32>,
      %select_n3A_528 = arith.select %ge3A_525, %broadcast_in_dim3A_207, %get3A_527 : vector<16xi1>, vector<16xf32>
      %swap3A_529 = arith.constant 192 : index
      %swap3A_530 = tpu.vector_load %arg15[%swap3A_529] {strides = array<i32>} : memref<208xf32, #tpu.memory_space<vmem>>, vector<16xf32>,
      tpu.vector_store %arg15[%swap3A_529], %select_n3A_528 {strides = array<i32>} : memref<208xf32, #tpu.memory_space<vmem>>, vector<16xf32>,
      %get3A_531 = arith.constant 192 : index
      %get3A_532 = tpu.vector_load %arg16[%get3A_531] {strides = array<i32>} : memref<208xf32, #tpu.memory_space<vmem>>, vector<16xf32>,
      %select_n3A_533 = arith.select %ge3A_525, %broadcast_in_dim3A_212, %get3A_532 : vector<16xi1>, vector<16xf32>
      %swap3A_534 = arith.constant 192 : index
      %swap3A_535 = tpu.vector_load %arg16[%swap3A_534] {strides = array<i32>} : memref<208xf32, #tpu.memory_space<vmem>>, vector<16xf32>,
      tpu.vector_store %arg16[%swap3A_534], %select_n3A_533 {strides = array<i32>} : memref<208xf32, #tpu.memory_space<vmem>>, vector<16xf32>,
      %get3A_536 = arith.constant 192 : index
      %get3A_537 = tpu.vector_load %arg17[%get3A_536] {strides = array<i32>} : memref<208xf32, #tpu.memory_space<vmem>>, vector<16xf32>,
      %select_n3A_538 = arith.select %ge3A_525, %broadcast_in_dim3A_217, %get3A_537 : vector<16xi1>, vector<16xf32>
      %swap3A_539 = arith.constant 192 : index
      %swap3A_540 = tpu.vector_load %arg17[%swap3A_539] {strides = array<i32>} : memref<208xf32, #tpu.memory_space<vmem>>, vector<16xf32>,
      tpu.vector_store %arg17[%swap3A_539], %select_n3A_538 {strides = array<i32>} : memref<208xf32, #tpu.memory_space<vmem>>, vector<16xf32>,
      %get3A_541 = arith.constant 192 : index
      %get3A_542 = tpu.vector_load %arg18[%get3A_541] {strides = array<i32>} : memref<208xf32, #tpu.memory_space<vmem>>, vector<16xf32>,
      %select_n3A_543 = arith.select %ge3A_525, %broadcast_in_dim3A_222, %get3A_542 : vector<16xi1>, vector<16xf32>
      %swap3A_544 = arith.constant 192 : index
      %swap3A_545 = tpu.vector_load %arg18[%swap3A_544] {strides = array<i32>} : memref<208xf32, #tpu.memory_space<vmem>>, vector<16xf32>,
      tpu.vector_store %arg18[%swap3A_544], %select_n3A_543 {strides = array<i32>} : memref<208xf32, #tpu.memory_space<vmem>>, vector<16xf32>,
      %run_scoped3A = arith.constant 0 : i32
      "tpu.region"() ({
        %run_scoped3A_549 = tpu.sem_alloc : memref<!tpu.dma_semaphore, #tpu.memory_space<semaphore_mem>>
        %dma_start3A_550 = arith.constant 0 : i32
        %dma_start3A_551 = tpu.memref_slice %arg7[%add3A, %run_scoped3A, %dma_start3A_550] : memref<8x4x208xf32, #tpu.memory_space<hbm>> -> memref<1x1x208xf32, #tpu.memory_space<hbm>>
        %dma_start3A_552 = tpu.memref_squeeze %dma_start3A_551 : memref<1x1x208xf32, #tpu.memory_space<hbm>> -> memref<208xf32, #tpu.memory_space<hbm>>
        %dma_start3A_553 = arith.constant 0 : i32
        %dma_start3A_554 = tpu.memref_slice %arg7[%add3A, %run_scoped3A, %dma_start3A_553] : memref<8x4x208xf32, #tpu.memory_space<hbm>> -> memref<1x1x208xf32, #tpu.memory_space<hbm>>
        %dma_start3A_555 = tpu.memref_squeeze %dma_start3A_554 : memref<1x1x208xf32, #tpu.memory_space<hbm>> -> memref<208xf32, #tpu.memory_space<hbm>>
        tpu.enqueue_dma source(%arg15 : memref<208xf32, #tpu.memory_space<vmem>>) target(%dma_start3A_555 : memref<208xf32, #tpu.memory_space<hbm>>) target_semaphore(%run_scoped3A_549 : memref<!tpu.dma_semaphore, #tpu.memory_space<semaphore_mem>>)
        %dma_wait3A_556 = arith.constant 0 : i32
        %dma_wait3A_557 = tpu.memref_slice %arg7[%add3A, %run_scoped3A, %dma_wait3A_556] : memref<8x4x208xf32, #tpu.memory_space<hbm>> -> memref<1x1x208xf32, #tpu.memory_space<hbm>>
        %dma_wait3A_558 = tpu.memref_squeeze %dma_wait3A_557 : memref<1x1x208xf32, #tpu.memory_space<hbm>> -> memref<208xf32, #tpu.memory_space<hbm>>
        %dma_wait3A_559 = arith.constant 0 : i32
        %dma_wait3A_560 = tpu.memref_slice %arg7[%add3A, %run_scoped3A, %dma_wait3A_559] : memref<8x4x208xf32, #tpu.memory_space<hbm>> -> memref<1x1x208xf32, #tpu.memory_space<hbm>>
        %dma_wait3A_561 = tpu.memref_squeeze %dma_wait3A_560 : memref<1x1x208xf32, #tpu.memory_space<hbm>> -> memref<208xf32, #tpu.memory_space<hbm>>
        tpu.wait_dma2 semaphore(%run_scoped3A_549 : memref<!tpu.dma_semaphore, #tpu.memory_space<semaphore_mem>>) src(%arg15 : memref<208xf32, #tpu.memory_space<vmem>>) dst(%dma_wait3A_561 : memref<208xf32, #tpu.memory_space<hbm>>)
        tpu.yield
      }) : () -> ()
      %run_scoped3A_546 = arith.constant 1 : i32
      "tpu.region"() ({
        %run_scoped3A_549 = tpu.sem_alloc : memref<!tpu.dma_semaphore, #tpu.memory_space<semaphore_mem>>
        %dma_start3A_550 = arith.constant 0 : i32
        %dma_start3A_551 = tpu.memref_slice %arg7[%add3A, %run_scoped3A_546, %dma_start3A_550] : memref<8x4x208xf32, #tpu.memory_space<hbm>> -> memref<1x1x208xf32, #tpu.memory_space<hbm>>
        %dma_start3A_552 = tpu.memref_squeeze %dma_start3A_551 : memref<1x1x208xf32, #tpu.memory_space<hbm>> -> memref<208xf32, #tpu.memory_space<hbm>>
        %dma_start3A_553 = arith.constant 0 : i32
        %dma_start3A_554 = tpu.memref_slice %arg7[%add3A, %run_scoped3A_546, %dma_start3A_553] : memref<8x4x208xf32, #tpu.memory_space<hbm>> -> memref<1x1x208xf32, #tpu.memory_space<hbm>>
        %dma_start3A_555 = tpu.memref_squeeze %dma_start3A_554 : memref<1x1x208xf32, #tpu.memory_space<hbm>> -> memref<208xf32, #tpu.memory_space<hbm>>
        tpu.enqueue_dma source(%arg16 : memref<208xf32, #tpu.memory_space<vmem>>) target(%dma_start3A_555 : memref<208xf32, #tpu.memory_space<hbm>>) target_semaphore(%run_scoped3A_549 : memref<!tpu.dma_semaphore, #tpu.memory_space<semaphore_mem>>)
        %dma_wait3A_556 = arith.constant 0 : i32
        %dma_wait3A_557 = tpu.memref_slice %arg7[%add3A, %run_scoped3A_546, %dma_wait3A_556] : memref<8x4x208xf32, #tpu.memory_space<hbm>> -> memref<1x1x208xf32, #tpu.memory_space<hbm>>
        %dma_wait3A_558 = tpu.memref_squeeze %dma_wait3A_557 : memref<1x1x208xf32, #tpu.memory_space<hbm>> -> memref<208xf32, #tpu.memory_space<hbm>>
        %dma_wait3A_559 = arith.constant 0 : i32
        %dma_wait3A_560 = tpu.memref_slice %arg7[%add3A, %run_scoped3A_546, %dma_wait3A_559] : memref<8x4x208xf32, #tpu.memory_space<hbm>> -> memref<1x1x208xf32, #tpu.memory_space<hbm>>
        %dma_wait3A_561 = tpu.memref_squeeze %dma_wait3A_560 : memref<1x1x208xf32, #tpu.memory_space<hbm>> -> memref<208xf32, #tpu.memory_space<hbm>>
        tpu.wait_dma2 semaphore(%run_scoped3A_549 : memref<!tpu.dma_semaphore, #tpu.memory_space<semaphore_mem>>) src(%arg16 : memref<208xf32, #tpu.memory_space<vmem>>) dst(%dma_wait3A_561 : memref<208xf32, #tpu.memory_space<hbm>>)
        tpu.yield
      }) : () -> ()
      %run_scoped3A_547 = arith.constant 2 : i32
      "tpu.region"() ({
        %run_scoped3A_549 = tpu.sem_alloc : memref<!tpu.dma_semaphore, #tpu.memory_space<semaphore_mem>>
        %dma_start3A_550 = arith.constant 0 : i32
        %dma_start3A_551 = tpu.memref_slice %arg7[%add3A, %run_scoped3A_547, %dma_start3A_550] : memref<8x4x208xf32, #tpu.memory_space<hbm>> -> memref<1x1x208xf32, #tpu.memory_space<hbm>>
        %dma_start3A_552 = tpu.memref_squeeze %dma_start3A_551 : memref<1x1x208xf32, #tpu.memory_space<hbm>> -> memref<208xf32, #tpu.memory_space<hbm>>
        %dma_start3A_553 = arith.constant 0 : i32
        %dma_start3A_554 = tpu.memref_slice %arg7[%add3A, %run_scoped3A_547, %dma_start3A_553] : memref<8x4x208xf32, #tpu.memory_space<hbm>> -> memref<1x1x208xf32, #tpu.memory_space<hbm>>
        %dma_start3A_555 = tpu.memref_squeeze %dma_start3A_554 : memref<1x1x208xf32, #tpu.memory_space<hbm>> -> memref<208xf32, #tpu.memory_space<hbm>>
        tpu.enqueue_dma source(%arg17 : memref<208xf32, #tpu.memory_space<vmem>>) target(%dma_start3A_555 : memref<208xf32, #tpu.memory_space<hbm>>) target_semaphore(%run_scoped3A_549 : memref<!tpu.dma_semaphore, #tpu.memory_space<semaphore_mem>>)
        %dma_wait3A_556 = arith.constant 0 : i32
        %dma_wait3A_557 = tpu.memref_slice %arg7[%add3A, %run_scoped3A_547, %dma_wait3A_556] : memref<8x4x208xf32, #tpu.memory_space<hbm>> -> memref<1x1x208xf32, #tpu.memory_space<hbm>>
        %dma_wait3A_558 = tpu.memref_squeeze %dma_wait3A_557 : memref<1x1x208xf32, #tpu.memory_space<hbm>> -> memref<208xf32, #tpu.memory_space<hbm>>
        %dma_wait3A_559 = arith.constant 0 : i32
        %dma_wait3A_560 = tpu.memref_slice %arg7[%add3A, %run_scoped3A_547, %dma_wait3A_559] : memref<8x4x208xf32, #tpu.memory_space<hbm>> -> memref<1x1x208xf32, #tpu.memory_space<hbm>>
        %dma_wait3A_561 = tpu.memref_squeeze %dma_wait3A_560 : memref<1x1x208xf32, #tpu.memory_space<hbm>> -> memref<208xf32, #tpu.memory_space<hbm>>
        tpu.wait_dma2 semaphore(%run_scoped3A_549 : memref<!tpu.dma_semaphore, #tpu.memory_space<semaphore_mem>>) src(%arg17 : memref<208xf32, #tpu.memory_space<vmem>>) dst(%dma_wait3A_561 : memref<208xf32, #tpu.memory_space<hbm>>)
        tpu.yield
      }) : () -> ()
      %run_scoped3A_548 = arith.constant 3 : i32
      "tpu.region"() ({
        %run_scoped3A_549 = tpu.sem_alloc : memref<!tpu.dma_semaphore, #tpu.memory_space<semaphore_mem>>
        %dma_start3A_550 = arith.constant 0 : i32
        %dma_start3A_551 = tpu.memref_slice %arg7[%add3A, %run_scoped3A_548, %dma_start3A_550] : memref<8x4x208xf32, #tpu.memory_space<hbm>> -> memref<1x1x208xf32, #tpu.memory_space<hbm>>
        %dma_start3A_552 = tpu.memref_squeeze %dma_start3A_551 : memref<1x1x208xf32, #tpu.memory_space<hbm>> -> memref<208xf32, #tpu.memory_space<hbm>>
        %dma_start3A_553 = arith.constant 0 : i32
        %dma_start3A_554 = tpu.memref_slice %arg7[%add3A, %run_scoped3A_548, %dma_start3A_553] : memref<8x4x208xf32, #tpu.memory_space<hbm>> -> memref<1x1x208xf32, #tpu.memory_space<hbm>>
        %dma_start3A_555 = tpu.memref_squeeze %dma_start3A_554 : memref<1x1x208xf32, #tpu.memory_space<hbm>> -> memref<208xf32, #tpu.memory_space<hbm>>
        tpu.enqueue_dma source(%arg18 : memref<208xf32, #tpu.memory_space<vmem>>) target(%dma_start3A_555 : memref<208xf32, #tpu.memory_space<hbm>>) target_semaphore(%run_scoped3A_549 : memref<!tpu.dma_semaphore, #tpu.memory_space<semaphore_mem>>)
        %dma_wait3A_556 = arith.constant 0 : i32
        %dma_wait3A_557 = tpu.memref_slice %arg7[%add3A, %run_scoped3A_548, %dma_wait3A_556] : memref<8x4x208xf32, #tpu.memory_space<hbm>> -> memref<1x1x208xf32, #tpu.memory_space<hbm>>
        %dma_wait3A_558 = tpu.memref_squeeze %dma_wait3A_557 : memref<1x1x208xf32, #tpu.memory_space<hbm>> -> memref<208xf32, #tpu.memory_space<hbm>>
        %dma_wait3A_559 = arith.constant 0 : i32
        %dma_wait3A_560 = tpu.memref_slice %arg7[%add3A, %run_scoped3A_548, %dma_wait3A_559] : memref<8x4x208xf32, #tpu.memory_space<hbm>> -> memref<1x1x208xf32, #tpu.memory_space<hbm>>
        %dma_wait3A_561 = tpu.memref_squeeze %dma_wait3A_560 : memref<1x1x208xf32, #tpu.memory_space<hbm>> -> memref<208xf32, #tpu.memory_space<hbm>>
        tpu.wait_dma2 semaphore(%run_scoped3A_549 : memref<!tpu.dma_semaphore, #tpu.memory_space<semaphore_mem>>) src(%arg18 : memref<208xf32, #tpu.memory_space<vmem>>) dst(%dma_wait3A_561 : memref<208xf32, #tpu.memory_space<hbm>>)
        tpu.yield
      }) : () -> ()
    } else {
    }
    return
  }
}

module attributes {stable_mosaic.version = 14 : i64} {
  func.func @_decode_body(%arg0: i32, %arg1: memref<1x160x128xf32, #tpu.memory_space<vmem>>, %arg2: memref<1x4x160x128xf32, #tpu.memory_space<vmem>>, %arg3: memref<4x160x128xf32, #tpu.memory_space<vmem>>, %arg4: memref<1x160x128xf32, #tpu.memory_space<vmem>>, %arg5: memref<1x160x128xf32, #tpu.memory_space<vmem>>, %arg6: memref<1x160x128xf32, #tpu.memory_space<vmem>>, %arg7: memref<1x160x128xf32, #tpu.memory_space<vmem>>, %arg8: memref<1x160x128xf32, #tpu.memory_space<vmem>>) attributes {dimension_semantics = [#tpu.dimension_semantics<arbitrary>], iteration_bounds = array<i64: 8>, scalar_prefetch = 0 : i64, scratch_operands = 0 : i64, tpu.core_type = #tpu.core_type<tc>, window_params = [{transform_indices = @transform_0, window_bounds = array<i64: 1, 160, 128>}, {transform_indices = @transform_1, window_bounds = array<i64: 1, 4, 160, 128>}, {pipeline_mode = #tpu.pipeline_mode<synchronous>, transform_indices = @transform_2, window_bounds = array<i64: 4, 160, 128>}, {transform_indices = @transform_3, window_bounds = array<i64: 1, 160, 128>}, {transform_indices = @transform_4, window_bounds = array<i64: 1, 160, 128>}, {transform_indices = @transform_5, window_bounds = array<i64: 1, 160, 128>}, {transform_indices = @transform_6, window_bounds = array<i64: 1, 160, 128>}, {transform_indices = @transform_7, window_bounds = array<i64: 1, 160, 128>}]} {
    %iota3A = tpu.iota {dimensions = array<i32: 0>} : vector<160x128xi32>
    %iota3A_0 = tpu.iota {dimensions = array<i32: 1>} : vector<160x128xi32>
    %mul3A = arith.constant 128 : i32
    %mul3A_1 = vector.broadcast %mul3A : i32 to vector<160x128xi32>
    %mul3A_2 = arith.muli %iota3A, %mul3A_1 : vector<160x128xi32>
    %add3A = arith.addi %mul3A_2, %iota3A_0 : vector<160x128xi32>
    %lt3A = arith.constant 20000 : i32
    %lt3A_3 = vector.broadcast %lt3A : i32 to vector<160x128xi32>
    %lt3A_4 = arith.cmpi slt, %add3A, %lt3A_3 : vector<160x128xi32>
    %get3A = arith.constant 0 : index
    %get3A_5 = arith.constant 0 : index
    %get3A_6 = arith.constant 0 : index
    %get3A_7 = vector.load %arg1[%get3A, %get3A_5, %get3A_6] : memref<1x160x128xf32, #tpu.memory_space<vmem>>, vector<1x160x128xf32>
    %get3A_8 = vector.shape_cast %get3A_7 : vector<1x160x128xf32> to vector<160x128xf32>
    %logistic3A = arith.negf %get3A_8 : vector<160x128xf32>
    %logistic3A_9 = math.exp %logistic3A : vector<160x128xf32>
    %logistic3A_10 = arith.constant 1.000000e+00 : f32
    %logistic3A_11 = vector.broadcast %logistic3A_10 : f32 to vector<160x128xf32>
    %logistic3A_12 = arith.addf %logistic3A_11, %logistic3A_9 : vector<160x128xf32>
    %logistic3A_13 = arith.divf %logistic3A_11, %logistic3A_12 : vector<160x128xf32>
    %jit3A = arith.constant 0xFF800000 : f32
    %broadcast_in_dim3A = vector.broadcast %jit3A : f32 to vector<160x128xf32>
    %select_n3A = arith.select %lt3A_4, %logistic3A_13, %broadcast_in_dim3A : vector<160x128xi1>, vector<160x128xf32>
    %swap3A = arith.constant 0 : index
    %swap3A_14 = arith.constant 0 : index
    %swap3A_15 = arith.constant 0 : index
    %swap3A_16 = vector.load %arg4[%swap3A, %swap3A_14, %swap3A_15] : memref<1x160x128xf32, #tpu.memory_space<vmem>>, vector<1x160x128xf32>
    %swap3A_17 = vector.shape_cast %swap3A_16 : vector<1x160x128xf32> to vector<160x128xf32>
    %swap3A_18 = vector.shape_cast %select_n3A : vector<160x128xf32> to vector<1x160x128xf32>
    tpu.vector_store %arg4[%swap3A, %swap3A_14, %swap3A_15], %swap3A_18 {strides = array<i32>} : memref<1x160x128xf32, #tpu.memory_space<vmem>>, vector<1x160x128xf32>,
    %get3A_19 = arith.constant 0 : index
    %get3A_20 = arith.constant 0 : index
    %get3A_21 = arith.constant 0 : index
    %get3A_22 = vector.load %arg3[%get3A_19, %get3A_20, %get3A_21] : memref<4x160x128xf32, #tpu.memory_space<vmem>>, vector<1x160x128xf32>
    %get3A_23 = vector.shape_cast %get3A_22 : vector<1x160x128xf32> to vector<160x128xf32>
    %get3A_24 = arith.constant 1 : index
    %get3A_25 = arith.constant 0 : index
    %get3A_26 = arith.constant 0 : index
    %get3A_27 = vector.load %arg3[%get3A_24, %get3A_25, %get3A_26] : memref<4x160x128xf32, #tpu.memory_space<vmem>>, vector<1x160x128xf32>
    %get3A_28 = vector.shape_cast %get3A_27 : vector<1x160x128xf32> to vector<160x128xf32>
    %get3A_29 = arith.constant 2 : index
    %get3A_30 = arith.constant 0 : index
    %get3A_31 = arith.constant 0 : index
    %get3A_32 = vector.load %arg3[%get3A_29, %get3A_30, %get3A_31] : memref<4x160x128xf32, #tpu.memory_space<vmem>>, vector<1x160x128xf32>
    %get3A_33 = vector.shape_cast %get3A_32 : vector<1x160x128xf32> to vector<160x128xf32>
    %get3A_34 = arith.constant 3 : index
    %get3A_35 = arith.constant 0 : index
    %get3A_36 = arith.constant 0 : index
    %get3A_37 = vector.load %arg3[%get3A_34, %get3A_35, %get3A_36] : memref<4x160x128xf32, #tpu.memory_space<vmem>>, vector<1x160x128xf32>
    %get3A_38 = vector.shape_cast %get3A_37 : vector<1x160x128xf32> to vector<160x128xf32>
    %sub3A = arith.subf %get3A_33, %get3A_23 : vector<160x128xf32>
    %sub3A_39 = arith.subf %get3A_38, %get3A_28 : vector<160x128xf32>
    %mul3A_40 = arith.constant 5.000000e-01 : f32
    %mul3A_41 = vector.broadcast %mul3A_40 : f32 to vector<160x128xf32>
    %mul3A_42 = arith.mulf %mul3A_41, %sub3A : vector<160x128xf32>
    %add3A_43 = arith.addf %get3A_23, %mul3A_42 : vector<160x128xf32>
    %mul3A_44 = arith.constant 5.000000e-01 : f32
    %mul3A_45 = vector.broadcast %mul3A_44 : f32 to vector<160x128xf32>
    %mul3A_46 = arith.mulf %mul3A_45, %sub3A_39 : vector<160x128xf32>
    %add3A_47 = arith.addf %get3A_28, %mul3A_46 : vector<160x128xf32>
    %get3A_48 = arith.constant 0 : index
    %get3A_49 = arith.constant 0 : index
    %get3A_50 = arith.constant 0 : index
    %get3A_51 = arith.constant 0 : index
    %get3A_52 = vector.load %arg2[%get3A_48, %get3A_49, %get3A_50, %get3A_51] : memref<1x4x160x128xf32, #tpu.memory_space<vmem>>, vector<1x1x160x128xf32>
    %get3A_53 = vector.shape_cast %get3A_52 : vector<1x1x160x128xf32> to vector<160x128xf32>
    %get3A_54 = arith.constant 0 : index
    %get3A_55 = arith.constant 1 : index
    %get3A_56 = arith.constant 0 : index
    %get3A_57 = arith.constant 0 : index
    %get3A_58 = vector.load %arg2[%get3A_54, %get3A_55, %get3A_56, %get3A_57] : memref<1x4x160x128xf32, #tpu.memory_space<vmem>>, vector<1x1x160x128xf32>
    %get3A_59 = vector.shape_cast %get3A_58 : vector<1x1x160x128xf32> to vector<160x128xf32>
    %get3A_60 = arith.constant 0 : index
    %get3A_61 = arith.constant 2 : index
    %get3A_62 = arith.constant 0 : index
    %get3A_63 = arith.constant 0 : index
    %get3A_64 = vector.load %arg2[%get3A_60, %get3A_61, %get3A_62, %get3A_63] : memref<1x4x160x128xf32, #tpu.memory_space<vmem>>, vector<1x1x160x128xf32>
    %get3A_65 = vector.shape_cast %get3A_64 : vector<1x1x160x128xf32> to vector<160x128xf32>
    %get3A_66 = arith.constant 0 : index
    %get3A_67 = arith.constant 3 : index
    %get3A_68 = arith.constant 0 : index
    %get3A_69 = arith.constant 0 : index
    %get3A_70 = vector.load %arg2[%get3A_66, %get3A_67, %get3A_68, %get3A_69] : memref<1x4x160x128xf32, #tpu.memory_space<vmem>>, vector<1x1x160x128xf32>
    %get3A_71 = vector.shape_cast %get3A_70 : vector<1x1x160x128xf32> to vector<160x128xf32>
    %mul3A_72 = arith.mulf %get3A_53, %sub3A : vector<160x128xf32>
    %add3A_73 = arith.addf %mul3A_72, %add3A_43 : vector<160x128xf32>
    %mul3A_74 = arith.mulf %get3A_59, %sub3A_39 : vector<160x128xf32>
    %add3A_75 = arith.addf %mul3A_74, %add3A_47 : vector<160x128xf32>
    %exp3A = math.exp %get3A_65 : vector<160x128xf32>
    %mul3A_76 = arith.mulf %exp3A, %sub3A : vector<160x128xf32>
    %exp3A_77 = math.exp %get3A_71 : vector<160x128xf32>
    %mul3A_78 = arith.mulf %exp3A_77, %sub3A_39 : vector<160x128xf32>
    %mul3A_79 = arith.constant 5.000000e-01 : f32
    %mul3A_80 = vector.broadcast %mul3A_79 : f32 to vector<160x128xf32>
    %mul3A_81 = arith.mulf %mul3A_80, %mul3A_76 : vector<160x128xf32>
    %sub3A_82 = arith.subf %add3A_73, %mul3A_81 : vector<160x128xf32>
    %jit3A_83 = arith.constant 0.000000e+00 : f32
    %jit3A_84 = arith.constant 1.000000e+00 : f32
    %max3A = vector.broadcast %jit3A_83 : f32 to vector<160x128xf32>
    %max3A_85 = arith.maximumf %max3A, %sub3A_82 : vector<160x128xf32>
    %min3A = vector.broadcast %jit3A_84 : f32 to vector<160x128xf32>
    %min3A_86 = arith.minimumf %min3A, %max3A_85 : vector<160x128xf32>
    %swap3A_87 = arith.constant 0 : index
    %swap3A_88 = arith.constant 0 : index
    %swap3A_89 = arith.constant 0 : index
    %swap3A_90 = vector.load %arg5[%swap3A_87, %swap3A_88, %swap3A_89] : memref<1x160x128xf32, #tpu.memory_space<vmem>>, vector<1x160x128xf32>
    %swap3A_91 = vector.shape_cast %swap3A_90 : vector<1x160x128xf32> to vector<160x128xf32>
    %swap3A_92 = vector.shape_cast %min3A_86 : vector<160x128xf32> to vector<1x160x128xf32>
    tpu.vector_store %arg5[%swap3A_87, %swap3A_88, %swap3A_89], %swap3A_92 {strides = array<i32>} : memref<1x160x128xf32, #tpu.memory_space<vmem>>, vector<1x160x128xf32>,
    %mul3A_93 = arith.constant 5.000000e-01 : f32
    %mul3A_94 = vector.broadcast %mul3A_93 : f32 to vector<160x128xf32>
    %mul3A_95 = arith.mulf %mul3A_94, %mul3A_78 : vector<160x128xf32>
    %sub3A_96 = arith.subf %add3A_75, %mul3A_95 : vector<160x128xf32>
    %jit3A_97 = arith.constant 0.000000e+00 : f32
    %jit3A_98 = arith.constant 1.000000e+00 : f32
    %max3A_99 = vector.broadcast %jit3A_97 : f32 to vector<160x128xf32>
    %max3A_100 = arith.maximumf %max3A_99, %sub3A_96 : vector<160x128xf32>
    %min3A_101 = vector.broadcast %jit3A_98 : f32 to vector<160x128xf32>
    %min3A_102 = arith.minimumf %min3A_101, %max3A_100 : vector<160x128xf32>
    %swap3A_103 = arith.constant 0 : index
    %swap3A_104 = arith.constant 0 : index
    %swap3A_105 = arith.constant 0 : index
    %swap3A_106 = vector.load %arg6[%swap3A_103, %swap3A_104, %swap3A_105] : memref<1x160x128xf32, #tpu.memory_space<vmem>>, vector<1x160x128xf32>
    %swap3A_107 = vector.shape_cast %swap3A_106 : vector<1x160x128xf32> to vector<160x128xf32>
    %swap3A_108 = vector.shape_cast %min3A_102 : vector<160x128xf32> to vector<1x160x128xf32>
    tpu.vector_store %arg6[%swap3A_103, %swap3A_104, %swap3A_105], %swap3A_108 {strides = array<i32>} : memref<1x160x128xf32, #tpu.memory_space<vmem>>, vector<1x160x128xf32>,
    %mul3A_109 = arith.constant 5.000000e-01 : f32
    %mul3A_110 = vector.broadcast %mul3A_109 : f32 to vector<160x128xf32>
    %mul3A_111 = arith.mulf %mul3A_110, %mul3A_76 : vector<160x128xf32>
    %add3A_112 = arith.addf %add3A_73, %mul3A_111 : vector<160x128xf32>
    %jit3A_113 = arith.constant 0.000000e+00 : f32
    %jit3A_114 = arith.constant 1.000000e+00 : f32
    %max3A_115 = vector.broadcast %jit3A_113 : f32 to vector<160x128xf32>
    %max3A_116 = arith.maximumf %max3A_115, %add3A_112 : vector<160x128xf32>
    %min3A_117 = vector.broadcast %jit3A_114 : f32 to vector<160x128xf32>
    %min3A_118 = arith.minimumf %min3A_117, %max3A_116 : vector<160x128xf32>
    %swap3A_119 = arith.constant 0 : index
    %swap3A_120 = arith.constant 0 : index
    %swap3A_121 = arith.constant 0 : index
    %swap3A_122 = vector.load %arg7[%swap3A_119, %swap3A_120, %swap3A_121] : memref<1x160x128xf32, #tpu.memory_space<vmem>>, vector<1x160x128xf32>
    %swap3A_123 = vector.shape_cast %swap3A_122 : vector<1x160x128xf32> to vector<160x128xf32>
    %swap3A_124 = vector.shape_cast %min3A_118 : vector<160x128xf32> to vector<1x160x128xf32>
    tpu.vector_store %arg7[%swap3A_119, %swap3A_120, %swap3A_121], %swap3A_124 {strides = array<i32>} : memref<1x160x128xf32, #tpu.memory_space<vmem>>, vector<1x160x128xf32>,
    %mul3A_125 = arith.constant 5.000000e-01 : f32
    %mul3A_126 = vector.broadcast %mul3A_125 : f32 to vector<160x128xf32>
    %mul3A_127 = arith.mulf %mul3A_126, %mul3A_78 : vector<160x128xf32>
    %add3A_128 = arith.addf %add3A_75, %mul3A_127 : vector<160x128xf32>
    %jit3A_129 = arith.constant 0.000000e+00 : f32
    %jit3A_130 = arith.constant 1.000000e+00 : f32
    %max3A_131 = vector.broadcast %jit3A_129 : f32 to vector<160x128xf32>
    %max3A_132 = arith.maximumf %max3A_131, %add3A_128 : vector<160x128xf32>
    %min3A_133 = vector.broadcast %jit3A_130 : f32 to vector<160x128xf32>
    %min3A_134 = arith.minimumf %min3A_133, %max3A_132 : vector<160x128xf32>
    %swap3A_135 = arith.constant 0 : index
    %swap3A_136 = arith.constant 0 : index
    %swap3A_137 = arith.constant 0 : index
    %swap3A_138 = vector.load %arg8[%swap3A_135, %swap3A_136, %swap3A_137] : memref<1x160x128xf32, #tpu.memory_space<vmem>>, vector<1x160x128xf32>
    %swap3A_139 = vector.shape_cast %swap3A_138 : vector<1x160x128xf32> to vector<160x128xf32>
    %swap3A_140 = vector.shape_cast %min3A_134 : vector<160x128xf32> to vector<1x160x128xf32>
    tpu.vector_store %arg8[%swap3A_135, %swap3A_136, %swap3A_137], %swap3A_140 {strides = array<i32>} : memref<1x160x128xf32, #tpu.memory_space<vmem>>, vector<1x160x128xf32>,
    return
  }
  func.func @transform_0(%arg0: i32) -> (i32, i32, i32) {
    %c0_i32 = arith.constant 0 : i32
    %c0_i32_0 = arith.constant 0 : i32
    %c0_i32_1 = arith.constant 0 : i32
    return %arg0, %c0_i32, %c0_i32_0 : i32, i32, i32
  }
  func.func @transform_1(%arg0: i32) -> (i32, i32, i32, i32) {
    %c0_i32 = arith.constant 0 : i32
    %c0_i32_0 = arith.constant 0 : i32
    %c0_i32_1 = arith.constant 0 : i32
    %c0_i32_2 = arith.constant 0 : i32
    return %arg0, %c0_i32, %c0_i32_0, %c0_i32_1 : i32, i32, i32, i32
  }
  func.func @transform_2(%arg0: i32) -> (i32, i32, i32) {
    %c0_i32 = arith.constant 0 : i32
    %c0_i32_0 = arith.constant 0 : i32
    %c0_i32_1 = arith.constant 0 : i32
    %c0_i32_2 = arith.constant 0 : i32
    return %c0_i32, %c0_i32_0, %c0_i32_1 : i32, i32, i32
  }
  func.func @transform_3(%arg0: i32) -> (i32, i32, i32) {
    %c0_i32 = arith.constant 0 : i32
    %c0_i32_0 = arith.constant 0 : i32
    %c0_i32_1 = arith.constant 0 : i32
    return %arg0, %c0_i32, %c0_i32_0 : i32, i32, i32
  }
  func.func @transform_4(%arg0: i32) -> (i32, i32, i32) {
    %c0_i32 = arith.constant 0 : i32
    %c0_i32_0 = arith.constant 0 : i32
    %c0_i32_1 = arith.constant 0 : i32
    return %arg0, %c0_i32, %c0_i32_0 : i32, i32, i32
  }
  func.func @transform_5(%arg0: i32) -> (i32, i32, i32) {
    %c0_i32 = arith.constant 0 : i32
    %c0_i32_0 = arith.constant 0 : i32
    %c0_i32_1 = arith.constant 0 : i32
    return %arg0, %c0_i32, %c0_i32_0 : i32, i32, i32
  }
  func.func @transform_6(%arg0: i32) -> (i32, i32, i32) {
    %c0_i32 = arith.constant 0 : i32
    %c0_i32_0 = arith.constant 0 : i32
    %c0_i32_1 = arith.constant 0 : i32
    return %arg0, %c0_i32, %c0_i32_0 : i32, i32, i32
  }
  func.func @transform_7(%arg0: i32) -> (i32, i32, i32) {
    %c0_i32 = arith.constant 0 : i32
    %c0_i32_0 = arith.constant 0 : i32
    %c0_i32_1 = arith.constant 0 : i32
    return %arg0, %c0_i32, %c0_i32_0 : i32, i32, i32
  }
}

</mosaic_0001>

<sc_bundles>
// kernel: kernel.4.cloned.1.call-start
scs
__scs_entry_jumppad:
0x0: {  	(pc) =	sbr.rel $0x88, $3  }
0x1: {  	(tag) =	ssettag $0x0;
	lr =	simm.s32 $0x1  }
0x2: {  	[smem:$0x3F9E] =	sst lr;
	_ =	strace $0xD0000000  }
0x3: {  	_ = 	snop  }
0x4: {  	_ = 	snop  }
0x5: {  	_ = 	snop  }
0x6: {  	_ = 	snop  }
0x7: {  	_ = 	snop  }
__scs_overlays_trampoline_lowered:
0x8: {  	[smem:$0x3FAD] =	sst s0  }
0x9: {  	[smem:$0x3FAE] =	sst s1  }
0xa: {  	[smem:$0x3FAF] =	sst s2  }
0xb: {  	[smem:$0x3FB0] =	sst s3  }
0xc: {  	[smem:$0x3FB1] =	sst s4  }
0xd: {  	[smem:$0x3FB2] =	sst s5  }
0xe: {  	[smem:$0x3FB3] =	sst s6  }
0xf: {  	[smem:$0x3FB4] =	sst s7  }
0x10: {  	[smem:$0x3FB5] =	sst s8  }
0x11: {  	[smem:$0x3FB6] =	sst s9;
	s0 =	simm.s32 @!p0 $0x0  }
0x12: {  	s1 =	sld [smem:$0x3F9C];
	s0 =	simm.s32 @p0 $0x1  }
0x13: {  	[smem:$0x3FB7] =	sst s0;
	s0 =	simm.s32 @!p1 $0x0  }
0x14: {  	s2 =	sld [smem:$0x3F9B];
	s0 =	simm.s32 @p1 $0x1  }
0x15: {  	[smem:$0x3FB8] =	sst s0;
	s0 =	simm.s32 @!p2 $0x0  }
0x16: {  	s3 =	sld [smem:$0x3FDB];
	s0 =	simm.s32 @p2 $0x1  }
0x17: {  	s4 =	simm.s32 $0x1BF5;
	[smem:$0x3FBA] =	sst s0  }
0x18: {  	s0 =	sld [smem:$0x3F9D];
	_ =	swait.ge [sflag:s4], $0x0  }
0x19: {  	s7 =	sld [smem:$0x3F9E]  }
0x1a: {  	s8 =	sadd.s32 $0xFFFFE003, lr  }
0x1b: {  	s9 =	sadd.s32 $0xFFFFFEF7, lr;
	s5 =	simm.s32 $0xFFFFFFFF;
	p2 =	slt.u32 s8, $0xFFFFF086  }
0x1c: {  	p1 =	slt.u32 s9, $0xF7A;
	s5 =	simm.s32 @!p2 $0x0  }
0x1d: {  	s5 =	simm.s32 @p1 $0x1;
	p0 =	seq.s32 s7, s2  }
0x1e: {  	s7 =	smul.u32 @!p0 $0xF7A, s2;
	p2 =	seq.s32 @!p0 s5, $0x0  }
0x1f: {  	s9 =	smul.u32 $0xF7A, s1;
	s8 =	simm.s32 @!p0 $0x1BF5;
	p2 =	por !p2, p0  }
0x20: {  	[sflag:s8] =	ssyncset.s32 @!p0 $0xFFFFF086;
	s6 =	sadd.s32 @!p0 s3, s7;
	s7 =	simm.s32 @!p0 $0x108  }
0x21: {  	s3 =	sadd.s32 s3, s9;
	s6 =	sadd.s32 @!p0 $0x88, s6;
	s7 =	simm.s32 @p2 $0x1082  }
0x22: {  	[simem:s7], [sflag:s8] =	dma.local @!p0 [hbm:s6], $0xF7A  }
0x23: {  	s9 =	sor.u32 $0xD0000000, s2;
	s6 =	simm.s32 $0x108;
	_ =	swait.ge @!p0 [sflag:s8], $0x0  }
0x24: {  	s3 =	sadd.s32 $0x88, s3;
	s6 =	simm.s32 @!p1 $0x1082;
	[sflag:s4] =	ssyncset.s32 $0xFFFFF086  }
0x25: {  	[simem:s6], [sflag:s4] =	dma.local [hbm:s3], $0xF7A  }
0x26: {  	[smem:$0x3F9E] =	sst s1;
	(tag) =	ssettag s2;
	_ =	strace s9  }
0x27: {  	s1 =	sld [smem:$0x3FAE]  }
0x28: {  	s2 =	sld [smem:$0x3FAF]  }
0x29: {  	s4 =	sld [smem:$0x3FB1]  }
0x2a: {  	p0 =	seq.s32 s5, $0x0;
	s5 =	sld [smem:$0x3FB2]  }
0x2b: {  	s6 =	sld [smem:$0x3FB3]  }
0x2c: {  	s7 =	sld [smem:$0x3FB4]  }
0x2d: {  	s3 =	simm.s32 $0x108;
	s8 =	sld [smem:$0x3FB5]  }
0x2e: {  	s3 =	simm.s32 @!p0 $0x1082;
	s9 =	sld [smem:$0x3FB6]  }
0x2f: {  	lr =	sadd.s32 s0, s3;
	s0 =	sld [smem:$0x3FAD]  }
0x30: {  	s3 =	sld [smem:$0x3FB0]  }
0x31: {  	[smem:$0x3FB9] =	sst s10  }
0x32: {  	s10 =	sld [smem:$0x3FB7];
	_ =	sdelay $0x3  }
0x33: {  	p0 =	seq.s32 s10, $0x1;
	s10 =	sld [smem:$0x3FB9];
	_ =	sdelay $0x3  }
0x34: {  	[smem:$0x3FB9] =	sst s10  }
0x35: {  	s10 =	sld [smem:$0x3FB8];
	_ =	sdelay $0x3  }
0x36: {  	p1 =	seq.s32 s10, $0x1;
	s10 =	sld [smem:$0x3FB9];
	_ =	sdelay $0x3  }
0x37: {  	[smem:$0x3FB9] =	sst s10  }
0x38: {  	s10 =	sld [smem:$0x3FBA]  }
0x39: {  	_ = 	snop;
	(pc) =	sbr.ind lr, $3  }
0x3a: {  	_ = 	snop  }
0x3b: {  	_ = 	snop  }
0x3c: {  	p2 =	seq.s32 s10, $0x1;
	s10 =	sld [smem:$0x3FB9]  }
0x3d: {  	_ =	shalt  }
0x3e: {  	_ =	shalt  }
0x3f: {  	_ =	shalt  }
0x40: {  	_ =	shalt  }
0x41: {  	_ =	shalt  }
0x42: {  	_ =	shalt  }
0x43: {  	_ =	shalt  }
0x44: {  	_ =	shalt  }
0x45: {  	_ =	shalt  }
0x46: {  	_ =	shalt  }
0x47: {  	_ =	shalt  }
0x48: {  	_ =	shalt  }
0x49: {  	_ =	shalt  }
0x4a: {  	_ =	shalt  }
0x4b: {  	_ =	shalt  }
0x4c: {  	_ =	shalt  }
0x4d: {  	_ =	shalt  }
0x4e: {  	_ =	shalt  }
0x4f: {  	_ =	shalt  }
0x50: {  	_ =	shalt  }
0x51: {  	_ =	shalt  }
0x52: {  	_ =	shalt  }
0x53: {  	_ =	shalt  }
0x54: {  	_ =	shalt  }
0x55: {  	_ =	shalt  }
0x56: {  	_ =	shalt  }
0x57: {  	_ =	shalt  }
0x58: {  	_ =	shalt  }
0x59: {  	_ =	shalt  }
0x5a: {  	_ =	shalt  }
0x5b: {  	_ =	shalt  }
0x5c: {  	_ =	shalt  }
0x5d: {  	_ =	shalt  }
0x5e: {  	_ =	shalt  }
0x5f: {  	_ =	shalt  }
0x60: {  	_ =	shalt  }
0x61: {  	_ =	shalt  }
0x62: {  	_ =	shalt  }
0x63: {  	_ =	shalt  }
0x64: {  	_ =	shalt  }
0x65: {  	_ =	shalt  }
0x66: {  	_ =	shalt  }
0x67: {  	_ =	shalt  }
0x68: {  	_ =	shalt  }
0x69: {  	_ =	shalt  }
0x6a: {  	_ =	shalt  }
0x6b: {  	_ =	shalt  }
0x6c: {  	_ =	shalt  }
0x6d: {  	_ =	shalt  }
0x6e: {  	_ =	shalt  }
0x6f: {  	_ =	shalt  }
0x70: {  	_ =	shalt  }
0x71: {  	_ =	shalt  }
0x72: {  	_ =	shalt  }
0x73: {  	_ =	shalt  }
0x74: {  	_ =	shalt  }
0x75: {  	_ =	shalt  }
0x76: {  	_ =	shalt  }
0x77: {  	_ =	shalt  }
0x78: {  	_ =	shalt  }
0x79: {  	_ =	shalt  }
0x7a: {  	_ =	shalt  }
0x7b: {  	_ =	shalt  }
0x7c: {  	_ =	shalt  }
0x7d: {  	_ =	shalt  }
0x7e: {  	_ =	shalt  }
0x7f: {  	_ =	shalt  }
0x80: {  	_ =	shalt  }
0x81: {  	_ =	shalt  }
0x82: {  	_ =	shalt  }
0x83: {  	_ =	shalt  }
0x84: {  	_ =	shalt  }
0x85: {  	_ =	shalt  }
0x86: {  	_ =	shalt  }
0x87: {  	_ =	shalt  }
.Lfunc_end0:
.L_simem_size_0:
called_computation_lowered:
.L_overlay_start_0:
0x88: {  	s2 =	sld [smem:$0x3FD9]  }
0x89: {  	s3 =	sld [smem:$0x3FFE];
	_ =	sdelay $0x1  }
0x8a: {  	s1 =	srdreg.scid  }
0x8b: {  	s0 =	sand.u32 $0x1, s1  }
0x8c: {  	s16 =	sshll.u32 s0, $0xA;
	s2 =	sadd.s32 s3, s2  }
0x8d: {  	s2 =	sadd.s32 s2, s16  }
0x8e: {  	[smem:$0x3FC5] =	sst s2  }
0x8f: {  	_ = 	snop  }
0x90: {  	(tm) =	ssettm $0x1  }
0x91: {  	s17 =	sld [smem:$0x3FFB];
	_ =	sdelay $0x3  }
0x92: {  	_ =	strace s17  }
0x93: {  	s2 =	sld [smem:$0x3FFC];
	_ =	sdelay $0x3  }
0x94: {  	_ =	strace s2  }
0x95: {  	s2 =	sld [smem:$0x3FFD];
	_ =	sdelay $0x3  }
0x96: {  	_ =	strace s2  }
0x97: {  	_ =	strace $0x8FFFFFFF  }
0x98: {  	s18 =	sld [smem:$0x3FDB];
	_ =	sdelay $0x1  }
0x99: {  	s19 =	simm.s32 $_scs_section_size  }
0x9a: {  	s4 =	simm.s32 $_size__tile_overlayer_lowered;
	s5 =	simm.s32 $_tile_overlayer_lowered  }
0x9b: {  	s22 =	simm.s32 $0x1BFF;
	s21 =	sshll.u32 s5, $0x1;
	s2 =	sadd.s32 s19, s18  }
0x9c: {  	s6 =	simm.s32 $0x0;
	s20 =	sshll.u32 s4, $0x1;
	s4 =	sadd.s32 s21, s2  }
0x9d: {  	[timem:s6], [sflag:s22] =	dma.local [hbm:s4], s20  }
0x9e: {  	_ =	swait.ge [sflag:s22], s20  }
0x9f: {  	s3 =	ssub.s32 $0x0, s20;
	[sflag:s22] =	ssyncset.done $0x0  }
0xa0: {  	[sflag:s22] =	ssyncadd.s32 s3;
	_ =	sdelay $0x1  }
0xa1: {  	s23 =	simm.s32 $0x1B8B  }
0xa2: {  	_ =	swait.ge [sflag:s23], $0x1  }
0xa3: {  	[sflag:s23] =	ssyncset.done $0x0  }
0xa4: {  	s25 =	simm.s32 $0x1B8E;
	s24 =	sld [smem:$0x3FFE];
	[sflag:s23] =	ssyncadd.s32 $0xFFFFFFFF  }
0xa5: {  	s26 =	simm.s32 $execute0_lowered;
	[smem:$0x3FD2] =	sst s25  }
0xa6: {  	s4 =	sshll.u32 s26, $0x1;
	_ =	strace $0x80000046;
	[dreg:$0x1] =	wrdreg $0xFFFFFFFF  }
0xa7: {  	s28 =	simm.s32 $_size_execute0_lowered;
	s2 =	sadd.s32 s2, s4;
	[dreg:$0x0] =	wrdreg $0x0  }
0xa8: {  	s4 =	sshll.u32 s28, $0x1;
	[dreg:$0x2] =	wrdreg s2  }
0xa9: {  	[dreg:$0x3] =	wrdreg s4  }
0xaa: {  	[dreg:$0x4] =	wrdreg $0xC0  }
0xab: {  	_ =	task [dreg:s6], $0x5FFFF  }
0xac: {  	[dreg:$0x1] =	wrdreg $0xFFFFFFFF  }
0xad: {  	[dreg:$0x0] =	wrdreg $0x60  }
0xae: {  	[dreg:$0x2] =	wrdreg s24  }
0xaf: {  	[dreg:$0x3] =	wrdreg $0x9  }
0xb0: {  	_ =	task.clear_ibuf [dreg:s6], $0x4FFFF;
	_ =	strace $0x90000046  }
0xb1: {  	s29 =	simm.s32 $0x9;
	_ =	strace $0x80000048  }
0xb2: {  	_ =	swait.ge [sflag:s29], $0x1  }
0xb3: {  	[sflag:s29] =	ssyncadd.s32 $0xFFFFFFFF  }
0xb4: {  	_ =	strace $0x90000048  }
0xb5: {  	_ =	sfence  }
0xb6: {  	s30 =	sld [smem:$0x0];
	_ =	sdelay $0x2  }
0xb7: {  	s31 =	sshll.u32 s1, $0xD;
	s1 =	sshrl.u32 s1, $0x2  }
0xb8: {  	s3 =	sand.u32 $0x4000, s31;
	s1 =	sadd.s32 s1, s30  }
0xb9: {  	s0 =	sor.u32 s3, s0;
	s1 =	sshll.u32 s1, $0x11  }
0xba: {  	s0 =	sor.u32 s1, s0  }
0xbb: {  	s0 =	sadd.s32 $0x8F2B, s0  }
0xbc: {  	[sflag:s0] =	ssyncadd.remote.s32 $0x1  }
0xbd: {  	_ =	sfence.sel $0xFFFF  }
0xbe: {  	[dreg:$0x0] =	wrdreg $0xFFFFFFFF;
	(pc) =	sbr.abs _section_cstart, $3  }
0xbf: {  	[dreg:$0x1] =	wrdreg $0xFFFFFFFF  }
0xc0: {  	_ =	task.clear_ibuf [dreg:s6], $0x2FFFF;
	_ =	strace $0x9FFFFFFF  }
0xc1: {  	(tm) =	ssettm $0x7FFFFFFF  }
tec
execute0_lowered:
.L_overlay_start_1:
0x0: {  	(tag) =	ssettag $0x1  }
0x1: {  	s1 =	stileid.u32  }
0x2: {  	p0 =	sgt.u32 s1, $0x3  }
.Ltmp0:
0x3: {  	_ = 	snop;
	(pc) =	sbr.rel @p0 .LBB2_23-.Ltmp0, $4  }
0x4: {  	_ = 	snop  }
0x5: {  	s2 =	simm.s32 $0x0  }
0x6: {  	[smem:$0x7FF] =	sst s2  }
0x7: {  	s0 =	rddreg [dreg:$0x0];
	_ =	strace $0x80000047  }
0x8: {  	s1 =	srdreg.scid  }
0x9: {  	s3 =	stileid.u32;
	s12 =	sadd.s32 $0xE00, s0;
	s10 =	sadd.s32 $0x14E00, s0  }
0xa: {  	s9 =	sadd.s32 $0xFE00, s0;
	s8 =	sadd.s32 $0xAE00, s0;
	s31 =	sadd.s32 $0x5E00, s0  }
0xb: {  	s11 =	simm.s32 $0x400;
	s14 =	simm.s32 $0x80;
	s15 =	simm.s32 $0x5000  }
0xc: {  	s16 =	simm.s32 $0xA000;
	s17 =	simm.s32 $0xF000;
	s18 =	simm.s32 $0x14000  }
0xd: {  	s19 =	simm.s32 $0x1;
	s20 =	simm.s32 $0x19000;
	s21 =	simm.s32 $0x19500  }
0xe: {  	v0 =	vlaneseq.u32;
	s22 =	simm.s32 $0x2;
	s23 =	simm.s32 $0x200;
	s1 =	sand.u32 $0x1, s1  }
0xf: {  	v1 =	vimm.f32 $0.0e+00;
	vm0 =	vmxor vm0, vm0;
	s25 =	simm.s32 $0x3;
	v20 =	vimm.s32 $0x0;
	s2 =	sshll.u32 s1, $0x2;
	s1 =	ssub.s32 $0x2, s1  }
0x10: {  	s30 =	simm.s32 $0x0;
	v2 =	vor.u32 $0x80000040, v0;
	v3 =	vor.u32 $0x80000030, v0;
	v4 =	vor.u32 $0x80000020, v0;
	s2 =	sadd.s32 s3, s2;
	s7 =	sshrl.u32 s1, $0x1  }
.Ltmp1:
0x11: {  	v5 =	vor.u32 $0x80000010, v0;
	v6 =	vor.u32 $0x80000000, v0;
	v7 =	vadd.s32 $0x1, v0;
	s3 =	sshll.u32 s2, $0x7;
	s2 =	sshll.u32 s2, $0x4;
	(pc) =	sbr.rel .LBB2_2-.Ltmp1, $4  }
0x12: {  	v8 =	vadd.s32 $0x11, v0;
	v9 =	vadd.s32 $0x21, v0;
	v10 =	vadd.s32 $0x31, v0;
	s1 =	ssub.s32 s1, s7;
	s6 =	sadd.s32 s3, s0;
	s7 =	sadd.s32 s31, s2  }
0x13: {  	v11 =	vadd.s32 $0x41, v0;
	v12 =	vadd.s32 $0x51, v0;
	v13 =	vadd.s32 $0x61, v0;
	s8 =	sadd.s32 s8, s2;
	s9 =	sadd.s32 s9, s2;
	s10 =	sadd.s32 s10, s2  }
0x14: {  	v14 =	vadd.s32 $0x71, v0;
	v15 =	vadd.s32 $0x81, v0;
	v16 =	vadd.s32 $0x91, v0;
	s12 =	sadd.s32 s12, s2;
	s13 =	smax.u32 s1, $0x1;
	s3 =	sadd.s32 $0x19E00, s6  }
0x15: {  	v17 =	vadd.s32 $0xA1, v0;
	v18 =	vadd.s32 $0xB1, v0;
	v19 =	vadd.s32 $0xC1, v0;
	s4 =	sadd.s32 $0x19E10, s6;
	s5 =	sadd.s32 $0x19E20, s6;
	s6 =	sadd.s32 $0x19E30, s6  }
.LBB2_22:
0x16: {  	v24 =	vld.msk [tilespmem:$0x5000 ss:$0x0], $0xffff  }
0x17: {  	v23 =	vld.msk [tilespmem:$0xA000 ss:$0x0], $0xffff  }
0x18: {  	v22 =	vld.msk [tilespmem:$0xF000 ss:$0x0], $0xffff  }
0x19: {  	v21 =	vld.msk [tilespmem:$0x14000 ss:$0x0], $0xffff  }
0x1a: {  	v26 =	vld [tilespmem:$0x19580]  }
0x1b: {  	v27 =	vld [tilespmem:$0x19680]  }
0x1c: {  	v28 =	vld [tilespmem:$0x19780]  }
0x1d: {  	v25 =	vmov s31;
	v29 =	vld [tilespmem:$0x19880]  }
0x1e: {  	v30 =	vld [tilespmem:$0x19590];
	vm1 =	vlt.u32 v25, v7  }
0x1f: {  	v31 =	vld [tilespmem:$0x19690];
	v26 =	vsel vm1, v24, v26  }
0x20: {  	v35 =	vld [tilespmem:$0x19790];
	v34 =	vsel vm1, v23, v27;
	[tilespmem:$0x19580] =	vst v26  }
0x21: {  	v37 =	vld [tilespmem:$0x19890];
	v36 =	vsel vm1, v22, v28;
	[tilespmem:$0x19680] =	vst v34  }
0x22: {  	v39 =	vld [tilespmem:$0x195A0];
	v38 =	vsel vm1, v21, v29;
	vm1 =	vlt.u32 v25, v8;
	[tilespmem:$0x19780] =	vst v36  }
0x23: {  	v41 =	vld [tilespmem:$0x196A0];
	[tilespmem:$0x19880] =	vst v38;
	v40 =	vsel vm1, v24, v30  }
0x24: {  	v43 =	vld [tilespmem:$0x197A0];
	v42 =	vsel vm1, v23, v31;
	[tilespmem:$0x19590] =	vst v40  }
0x25: {  	v45 =	vld [tilespmem:$0x198A0];
	v44 =	vsel vm1, v22, v35;
	[tilespmem:$0x19690] =	vst v42  }
0x26: {  	v47 =	vld [tilespmem:$0x195B0];
	v46 =	vsel vm1, v21, v37;
	vm1 =	vlt.u32 v25, v9;
	[tilespmem:$0x19790] =	vst v44  }
0x27: {  	v49 =	vld [tilespmem:$0x196B0];
	[tilespmem:$0x19890] =	vst v46;
	v48 =	vsel vm1, v24, v39  }
0x28: {  	v51 =	vld [tilespmem:$0x197B0];
	v50 =	vsel vm1, v23, v41;
	[tilespmem:$0x195A0] =	vst v48  }
0x29: {  	v53 =	vld [tilespmem:$0x198B0];
	v52 =	vsel vm1, v22, v43;
	[tilespmem:$0x196A0] =	vst v50  }
0x2a: {  	v55 =	vld [tilespmem:$0x195C0];
	v54 =	vsel vm1, v21, v45;
	vm1 =	vlt.u32 v25, v10;
	[tilespmem:$0x197A0] =	vst v52  }
0x2b: {  	v57 =	vld [tilespmem:$0x196C0];
	[tilespmem:$0x198A0] =	vst v54;
	v56 =	vsel vm1, v24, v47  }
0x2c: {  	v59 =	vld [tilespmem:$0x197C0];
	v58 =	vsel vm1, v23, v49;
	[tilespmem:$0x195B0] =	vst v56  }
0x2d: {  	v61 =	vld [tilespmem:$0x198C0];
	v60 =	vsel vm1, v22, v51;
	[tilespmem:$0x196B0] =	vst v58  }
0x2e: {  	v63 =	vld [tilespmem:$0x195D0];
	v62 =	vsel vm1, v21, v53;
	vm1 =	vlt.u32 v25, v11;
	[tilespmem:$0x197B0] =	vst v60  }
0x2f: {  	v33 =	vld [tilespmem:$0x196D0];
	[tilespmem:$0x198B0] =	vst v62;
	v32 =	vsel vm1, v24, v55  }
0x30: {  	v35 =	vld [tilespmem:$0x197D0];
	v34 =	vsel vm1, v23, v57;
	[tilespmem:$0x195C0] =	vst v32  }
0x31: {  	v37 =	vld [tilespmem:$0x198D0];
	v36 =	vsel vm1, v22, v59;
	[tilespmem:$0x196C0] =	vst v34  }
0x32: {  	v39 =	vld [tilespmem:$0x195E0];
	v38 =	vsel vm1, v21, v61;
	vm1 =	vlt.u32 v25, v12;
	[tilespmem:$0x197C0] =	vst v36  }
0x33: {  	v41 =	vld [tilespmem:$0x196E0];
	[tilespmem:$0x198C0] =	vst v38;
	v40 =	vsel vm1, v24, v63  }
0x34: {  	v43 =	vld [tilespmem:$0x197E0];
	v42 =	vsel vm1, v23, v33;
	[tilespmem:$0x195D0] =	vst v40  }
0x35: {  	v45 =	vld [tilespmem:$0x198E0];
	[tilespmem:$0x196D0] =	vst v42;
	v44 =	vsel vm1, v22, v35  }
0x36: {  	v47 =	vld [tilespmem:$0x195F0];
	v46 =	vsel vm1, v21, v37;
	vm1 =	vlt.u32 v25, v13;
	[tilespmem:$0x197D0] =	vst v44  }
0x37: {  	v49 =	vld [tilespmem:$0x196F0];
	[tilespmem:$0x198D0] =	vst v46;
	v48 =	vsel vm1, v24, v39  }
0x38: {  	v51 =	vld [tilespmem:$0x197F0];
	v50 =	vsel vm1, v23, v41;
	[tilespmem:$0x195E0] =	vst v48  }
0x39: {  	v53 =	vld [tilespmem:$0x198F0];
	v52 =	vsel vm1, v22, v43;
	[tilespmem:$0x196E0] =	vst v50  }
0x3a: {  	v55 =	vld [tilespmem:$0x19600];
	v54 =	vsel vm1, v21, v45;
	vm1 =	vlt.u32 v25, v14;
	[tilespmem:$0x197E0] =	vst v52  }
0x3b: {  	v57 =	vld [tilespmem:$0x19700];
	[tilespmem:$0x198E0] =	vst v54;
	v56 =	vsel vm1, v24, v47  }
0x3c: {  	v59 =	vld [tilespmem:$0x19800];
	v58 =	vsel vm1, v23, v49;
	[tilespmem:$0x195F0] =	vst v56  }
0x3d: {  	v61 =	vld [tilespmem:$0x19900];
	v60 =	vsel vm1, v22, v51;
	[tilespmem:$0x196F0] =	vst v58  }
0x3e: {  	v63 =	vld [tilespmem:$0x19610];
	v62 =	vsel vm1, v21, v53;
	vm1 =	vlt.u32 v25, v15;
	[tilespmem:$0x197F0] =	vst v60  }
0x3f: {  	v34 =	vld [tilespmem:$0x19710];
	[tilespmem:$0x198F0] =	vst v62;
	v33 =	vsel vm1, v24, v55  }
0x40: {  	v36 =	vld [tilespmem:$0x19810];
	v35 =	vsel vm1, v23, v57;
	[tilespmem:$0x19600] =	vst v33  }
0x41: {  	v38 =	vld [tilespmem:$0x19910];
	v37 =	vsel vm1, v22, v59;
	[tilespmem:$0x19700] =	vst v35  }
0x42: {  	v40 =	vld [tilespmem:$0x19620];
	v39 =	vsel vm1, v21, v61;
	vm1 =	vlt.u32 v25, v16;
	[tilespmem:$0x19800] =	vst v37  }
0x43: {  	v42 =	vld [tilespmem:$0x19720];
	[tilespmem:$0x19900] =	vst v39;
	v41 =	vsel vm1, v24, v63  }
0x44: {  	v44 =	vld [tilespmem:$0x19820];
	v43 =	vsel vm1, v23, v34;
	[tilespmem:$0x19610] =	vst v41  }
0x45: {  	v46 =	vld [tilespmem:$0x19920];
	v45 =	vsel vm1, v22, v36;
	[tilespmem:$0x19710] =	vst v43  }
0x46: {  	v48 =	vld [tilespmem:$0x19630];
	v47 =	vsel vm1, v21, v38;
	vm1 =	vlt.u32 v25, v17;
	[tilespmem:$0x19810] =	vst v45  }
0x47: {  	v50 =	vld [tilespmem:$0x19730];
	[tilespmem:$0x19910] =	vst v47;
	v49 =	vsel vm1, v24, v40  }
0x48: {  	v52 =	vld [tilespmem:$0x19830];
	v51 =	vsel vm1, v23, v42;
	[tilespmem:$0x19620] =	vst v49  }
0x49: {  	v54 =	vld [tilespmem:$0x19930];
	[tilespmem:$0x19720] =	vst v51;
	v53 =	vsel vm1, v22, v44  }
0x4a: {  	v56 =	vld [tilespmem:$0x19640];
	v55 =	vsel vm1, v21, v46;
	vm1 =	vlt.u32 v25, v18;
	[tilespmem:$0x19820] =	vst v53  }
0x4b: {  	v58 =	vld [tilespmem:$0x19740];
	[tilespmem:$0x19920] =	vst v55;
	v57 =	vsel vm1, v24, v48  }
0x4c: {  	v60 =	vld [tilespmem:$0x19840];
	v59 =	vsel vm1, v23, v50;
	[tilespmem:$0x19630] =	vst v57  }
0x4d: {  	v62 =	vld [tilespmem:$0x19940];
	v61 =	vsel vm1, v22, v52;
	[tilespmem:$0x19730] =	vst v59  }
0x4e: {  	v63 =	vsel vm1, v21, v54;
	vm1 =	vlt.u32 v25, v19;
	[tilespmem:$0x19830] =	vst v61  }
0x4f: {  	[tilespmem:$0x19930] =	vst v63;
	v24 =	vsel vm1, v24, v56  }
0x50: {  	v23 =	vsel vm1, v23, v58;
	[tilespmem:$0x19640] =	vst v24  }
0x51: {  	v22 =	vsel vm1, v22, v60;
	[tilespmem:$0x19740] =	vst v23  }
0x52: {  	v21 =	vsel vm1, v21, v62;
	[tilespmem:$0x19840] =	vst v22  }
0x53: {  	s0 =	simm.s32 $0x19580;
	[tilespmem:$0x19940] =	vst v21  }
0x54: {  	[hbm4b:s3+s14] =	stream.strided.scatter [tilespmem:s0], [sflag:$0x3], $0x100, s23, s14, $0x38;
	[tilespmem:$0x19A80] =	vst v63  }
0x55: {  	_ =	swait.ge [sflag:s25], $0x100  }
0x56: {  	[sflag:s25] =	ssyncset.done $0x0  }
0x57: {  	s28 =	simm.s32 $0x19680;
	[sflag:s25] =	ssyncadd.s32 $0xFFFFFF00  }
0x58: {  	[hbm4b:s4+s14] =	stream.strided.scatter [tilespmem:s28], [sflag:$0x3], $0x100, s23, s14, $0x38;
	[tilespmem:$0x19A80] =	vst v63  }
0x59: {  	_ =	swait.ge [sflag:s25], $0x100  }
0x5a: {  	[sflag:s25] =	ssyncset.done $0x0  }
0x5b: {  	s29 =	simm.s32 $0x19780;
	[sflag:s25] =	ssyncadd.s32 $0xFFFFFF00  }
0x5c: {  	[hbm4b:s5+s14] =	stream.strided.scatter [tilespmem:s29], [sflag:$0x3], $0x100, s23, s14, $0x38;
	[tilespmem:$0x19A80] =	vst v63  }
0x5d: {  	s30 =	sadd.s32 $0x1, s30;
	_ =	swait.ge [sflag:s25], $0x100  }
0x5e: {  	p0 =	sne.s32 s30, s13;
	[sflag:s25] =	ssyncset.done $0x0  }
.Ltmp2:
0x5f: {  	s31 =	simm.s32 $0x19880;
	[sflag:s25] =	ssyncadd.s32 $0xFFFFFF00;
	(pc) =	sbr.rel @!p0 .LBB2_23-.Ltmp2, $4  }
0x60: {  	[hbm4b:s6+s14] =	stream.strided.scatter [tilespmem:s31], [sflag:$0x3], $0x100, s23, s14, $0x38;
	[tilespmem:$0x19A80] =	vst v63  }
0x61: {  	_ =	swait.ge [sflag:s25], $0x100  }
0x62: {  	[sflag:s25] =	ssyncset.done $0x0  }
0x63: {  	[sflag:s25] =	ssyncadd.s32 $0xFFFFFF00  }
.LBB2_2:
0x64: {  	s0 =	simm.s32 $0x0  }
0x65: {  	[tilespmem:s0], [sflag:$0x1] =	stream.strided.gather [hbm4b:s12+s14], $0x5000, s11, s14, $0x38;
	[tilespmem:$0x19A80] =	vst v63  }
0x66: {  	_ = 	snop  }
0x67: {  	[tilespmem:s15], [sflag:$0x2] =	stream.strided.gather [hbm4b:s10+s14], $0x5000, s11, s14, $0x38;
	[tilespmem:$0x19A80] =	vst v63  }
0x68: {  	_ = 	snop  }
0x69: {  	[tilespmem:s16], [sflag:$0x2] =	stream.strided.gather [hbm4b:s9+s14], $0x5000, s11, s14, $0x38;
	[tilespmem:$0x19A80] =	vst v63  }
0x6a: {  	_ = 	snop  }
0x6b: {  	[tilespmem:s17], [sflag:$0x2] =	stream.strided.gather [hbm4b:s8+s14], $0x5000, s11, s14, $0x38;
	[tilespmem:$0x19A80] =	vst v63  }
0x6c: {  	_ = 	snop  }
0x6d: {  	[tilespmem:s18], [sflag:$0x2] =	stream.strided.gather [hbm4b:s7+s14], $0x5000, s11, s14, $0x38;
	[tilespmem:$0x19A80] =	vst v63  }
0x6e: {  	[tilespmem:$0x19580] =	vst v1  }
0x6f: {  	[tilespmem:$0x19680] =	vst v1  }
0x70: {  	[tilespmem:$0x19780] =	vst v1  }
0x71: {  	[tilespmem:$0x19880] =	vst v1  }
0x72: {  	[tilespmem:$0x19980] =	vst v1  }
0x73: {  	[tilespmem:$0x19590] =	vst v1  }
0x74: {  	[tilespmem:$0x19690] =	vst v1  }
0x75: {  	[tilespmem:$0x19790] =	vst v1  }
0x76: {  	[tilespmem:$0x19890] =	vst v1  }
0x77: {  	[tilespmem:$0x19990] =	vst v1  }
0x78: {  	[tilespmem:$0x195A0] =	vst v1  }
0x79: {  	[tilespmem:$0x196A0] =	vst v1  }
0x7a: {  	[tilespmem:$0x197A0] =	vst v1  }
0x7b: {  	[tilespmem:$0x198A0] =	vst v1  }
0x7c: {  	[tilespmem:$0x199A0] =	vst v1  }
0x7d: {  	[tilespmem:$0x195B0] =	vst v1  }
0x7e: {  	[tilespmem:$0x196B0] =	vst v1  }
0x7f: {  	[tilespmem:$0x197B0] =	vst v1  }
0x80: {  	[tilespmem:$0x198B0] =	vst v1  }
0x81: {  	[tilespmem:$0x199B0] =	vst v1  }
0x82: {  	[tilespmem:$0x195C0] =	vst v1  }
0x83: {  	[tilespmem:$0x196C0] =	vst v1  }
0x84: {  	[tilespmem:$0x197C0] =	vst v1  }
0x85: {  	[tilespmem:$0x198C0] =	vst v1  }
0x86: {  	[tilespmem:$0x199C0] =	vst v1  }
0x87: {  	[tilespmem:$0x195D0] =	vst v1  }
0x88: {  	[tilespmem:$0x196D0] =	vst v1  }
0x89: {  	[tilespmem:$0x197D0] =	vst v1  }
0x8a: {  	[tilespmem:$0x198D0] =	vst v1  }
0x8b: {  	[tilespmem:$0x199D0] =	vst v1  }
0x8c: {  	[tilespmem:$0x195E0] =	vst v1  }
0x8d: {  	[tilespmem:$0x196E0] =	vst v1  }
0x8e: {  	[tilespmem:$0x197E0] =	vst v1  }
0x8f: {  	[tilespmem:$0x198E0] =	vst v1  }
0x90: {  	[tilespmem:$0x199E0] =	vst v1  }
0x91: {  	[tilespmem:$0x195F0] =	vst v1  }
0x92: {  	[tilespmem:$0x196F0] =	vst v1  }
0x93: {  	[tilespmem:$0x197F0] =	vst v1  }
0x94: {  	[tilespmem:$0x198F0] =	vst v1  }
0x95: {  	[tilespmem:$0x199F0] =	vst v1  }
0x96: {  	[tilespmem:$0x19600] =	vst v1  }
0x97: {  	[tilespmem:$0x19700] =	vst v1  }
0x98: {  	[tilespmem:$0x19800] =	vst v1  }
0x99: {  	[tilespmem:$0x19900] =	vst v1  }
0x9a: {  	[tilespmem:$0x19A00] =	vst v1  }
0x9b: {  	[tilespmem:$0x19610] =	vst v1  }
0x9c: {  	[tilespmem:$0x19710] =	vst v1  }
0x9d: {  	[tilespmem:$0x19810] =	vst v1  }
0x9e: {  	[tilespmem:$0x19910] =	vst v1  }
0x9f: {  	[tilespmem:$0x19A10] =	vst v1  }
0xa0: {  	[tilespmem:$0x19620] =	vst v1  }
0xa1: {  	[tilespmem:$0x19720] =	vst v1  }
0xa2: {  	[tilespmem:$0x19820] =	vst v1  }
0xa3: {  	[tilespmem:$0x19920] =	vst v1  }
0xa4: {  	[tilespmem:$0x19A20] =	vst v1  }
0xa5: {  	[tilespmem:$0x19630] =	vst v1  }
0xa6: {  	[tilespmem:$0x19730] =	vst v1  }
0xa7: {  	[tilespmem:$0x19830] =	vst v1  }
0xa8: {  	[tilespmem:$0x19930] =	vst v1  }
0xa9: {  	[tilespmem:$0x19A30] =	vst v1  }
0xaa: {  	[tilespmem:$0x19640] =	vst v1  }
0xab: {  	[tilespmem:$0x19740] =	vst v1  }
0xac: {  	[tilespmem:$0x19840] =	vst v1  }
0xad: {  	[tilespmem:$0x19940] =	vst v1  }
0xae: {  	[tilespmem:$0x19A40] =	vst v1  }
0xaf: {  	_ =	swait.ge [sflag:s19], $0x5000  }
0xb0: {  	[sflag:s19] =	ssyncset.done $0x0  }
0xb1: {  	s0 =	simm.s32 $0x20;
	[sflag:s19] =	ssyncadd.s32 $0xFFFFB000  }
0xb2: {  	v21 =	vld [tilespmem:s0+$0xFFFFFFE0];
	_ =	sdelay $0x4  }
0xb3: {  	s1 =	simm.s32 $0x0;
	(xrf0) =	vmax.scan.msk.f32 $0xffff, v21  }
0xb4: {  	v21 =	vmov s1  }
0xb5: {  	v21 =	vand.u32 $0xFFFFFFFC, v21  }
0xb6: {  	v21 =	vbroadcast v21, $0x0;
	_ =	sdelay $0x2  }
0xb7: {  	v22, _, _ =	vpop (xrf0)  }
0xb8: {  	v22 =	vbroadcast v22, $0xF;
	_ =	sdelay $0x1  }
0xb9: {  	[tilespmem:v21+s20+$0x0] =	vst.idx.msk $0x1, v22  }
0xba: {  	v21 =	vld [tilespmem:s0+$0xFFFFFFF0];
	_ =	sdelay $0x4  }
0xbb: {  	s28 =	simm.s32 $0x1;
	(xrf0) =	vmax.scan.msk.f32 $0xffff, v21  }
0xbc: {  	v21 =	vmov s28  }
0xbd: {  	v21 =	vand.u32 $0xFFFFFFFD, v21  }
0xbe: {  	v21 =	vbroadcast v21, $0x0;
	_ =	sdelay $0x2  }
0xbf: {  	v22, _, _ =	vpop (xrf0)  }
0xc0: {  	v22 =	vbroadcast v22, $0xF;
	_ =	sdelay $0x1  }
0xc1: {  	[tilespmem:v21+s20+$0x0] =	vst.idx.msk $0x1, v22  }
0xc2: {  	v21 =	vld [tilespmem:s0+$0x0];
	_ =	sdelay $0x4  }
0xc3: {  	s29 =	simm.s32 $0x2;
	(xrf0) =	vmax.scan.msk.f32 $0xffff, v21  }
0xc4: {  	v21 =	vmov s29  }
0xc5: {  	v21 =	vand.u32 $0xFFFFFFFE, v21  }
0xc6: {  	v21 =	vbroadcast v21, $0x0;
	_ =	sdelay $0x2  }
0xc7: {  	v22, _, _ =	vpop (xrf0)  }
0xc8: {  	v22 =	vbroadcast v22, $0xF;
	_ =	sdelay $0x1  }
0xc9: {  	[tilespmem:v21+s20+$0x0] =	vst.idx.msk $0x1, v22  }
0xca: {  	v21 =	vld [tilespmem:s0+$0x10];
	_ =	sdelay $0x4  }
0xcb: {  	(xrf0) =	vmax.scan.msk.f32 $0xffff, v21;
	_ =	sdelay $0x3  }
0xcc: {  	v21 =	vmov s25;
	_ =	sdelay $0x1  }
0xcd: {  	v22, _, _ =	vpop (xrf0)  }
0xce: {  	s31 =	simm.s32 $0x7;
	v22 =	vbroadcast v22, $0xF  }
.LBB2_3:
0xcf: {  	p0 =	sne.s32 s31, $0x4FF  }
0xd0: {  	s0 =	sadd.s32 $0x40, s0;
	s1 =	smov.u32 s31;
	s31 =	sadd.s32 $0x4, s31;
	[tilespmem:v21+s20+$0x0] =	vst.idx.msk $0x1, v22  }
0xd1: {  	v21 =	vld [tilespmem:s0+$0xFFFFFFE0];
	_ =	sdelay $0x4  }
0xd2: {  	s2 =	sadd.s32 $0xFFFFFFFD, s1;
	(xrf0) =	vmax.scan.msk.f32 $0xffff, v21  }
0xd3: {  	v21 =	vmov s2  }
0xd4: {  	v21 =	vand.u32 $0xFFFFFFFC, v21  }
0xd5: {  	v21 =	vbroadcast v21, $0x0;
	_ =	sdelay $0x2  }
0xd6: {  	v22, _, _ =	vpop (xrf0)  }
0xd7: {  	v22 =	vbroadcast v22, $0xF;
	_ =	sdelay $0x1  }
0xd8: {  	[tilespmem:v21+s20+$0x0] =	vst.idx.msk $0x1, v22  }
0xd9: {  	v21 =	vld [tilespmem:s0+$0xFFFFFFF0];
	_ =	sdelay $0x4  }
0xda: {  	s2 =	sadd.s32 $0xFFFFFFFE, s1;
	(xrf0) =	vmax.scan.msk.f32 $0xffff, v21  }
0xdb: {  	v21 =	vmov s2  }
0xdc: {  	v21 =	vand.u32 $0xFFFFFFFD, v21  }
0xdd: {  	v21 =	vbroadcast v21, $0x0;
	_ =	sdelay $0x2  }
0xde: {  	v22, _, _ =	vpop (xrf0)  }
0xdf: {  	v22 =	vbroadcast v22, $0xF;
	_ =	sdelay $0x1  }
0xe0: {  	[tilespmem:v21+s20+$0x0] =	vst.idx.msk $0x1, v22  }
0xe1: {  	v21 =	vld [tilespmem:s0+$0x0];
	_ =	sdelay $0x4  }
0xe2: {  	s2 =	sadd.s32 $0xFFFFFFFF, s1;
	(xrf0) =	vmax.scan.msk.f32 $0xffff, v21  }
0xe3: {  	v21 =	vmov s2  }
0xe4: {  	v21 =	vand.u32 $0xFFFFFFFE, v21  }
0xe5: {  	v21 =	vbroadcast v21, $0x0;
	_ =	sdelay $0x2  }
0xe6: {  	v22, _, _ =	vpop (xrf0)  }
0xe7: {  	v22 =	vbroadcast v22, $0xF;
	_ =	sdelay $0x1  }
0xe8: {  	[tilespmem:v21+s20+$0x0] =	vst.idx.msk $0x1, v22  }
0xe9: {  	v21 =	vld [tilespmem:s0+$0x10];
	_ =	sdelay $0x4  }
0xea: {  	(xrf0) =	vmax.scan.msk.f32 $0xffff, v21;
	_ =	sdelay $0x2  }
.Ltmp3:
0xeb: {  	(pc) =	sbr.rel @p0 .LBB2_3-.Ltmp3, $3  }
0xec: {  	v21 =	vmov s1;
	_ =	sdelay $0x1  }
0xed: {  	v22, _, _ =	vpop (xrf0)  }
0xee: {  	v22 =	vbroadcast v22, $0xF  }
0xef: {  	_ =	sdelay $0x3  }
0xf0: {  	s0 =	simm.s32 $0x19020;
	[tilespmem:v21+s20+$0x0] =	vst.idx.msk $0x1, v22  }
0xf1: {  	v21 =	vld [tilespmem:s0+$0xFFFFFFE0];
	_ =	sdelay $0x4  }
0xf2: {  	s1 =	simm.s32 $0x0;
	(xrf0) =	vmax.scan.msk.f32 $0xffff, v21  }
0xf3: {  	v21 =	vmov s1  }
0xf4: {  	v21 =	vand.u32 $0xFFFFFFFC, v21  }
0xf5: {  	v21 =	vbroadcast v21, $0x0;
	_ =	sdelay $0x2  }
0xf6: {  	v22, _, _ =	vpop (xrf0)  }
0xf7: {  	v22 =	vbroadcast v22, $0xF;
	_ =	sdelay $0x1  }
0xf8: {  	[tilespmem:v21+s21+$0x0] =	vst.idx.msk $0x1, v22  }
0xf9: {  	v21 =	vld [tilespmem:s0+$0xFFFFFFF0];
	_ =	sdelay $0x4  }
0xfa: {  	s26 =	simm.s32 $0x1;
	(xrf0) =	vmax.scan.msk.f32 $0xffff, v21  }
0xfb: {  	v21 =	vmov s26  }
0xfc: {  	v21 =	vand.u32 $0xFFFFFFFD, v21  }
0xfd: {  	v21 =	vbroadcast v21, $0x0;
	_ =	sdelay $0x2  }
0xfe: {  	v22, _, _ =	vpop (xrf0)  }
0xff: {  	v22 =	vbroadcast v22, $0xF;
	_ =	sdelay $0x1  }
0x100: {  	[tilespmem:v21+s21+$0x0] =	vst.idx.msk $0x1, v22  }
0x101: {  	v21 =	vld [tilespmem:s0+$0x0];
	_ =	sdelay $0x4  }
0x102: {  	s28 =	simm.s32 $0x2;
	(xrf0) =	vmax.scan.msk.f32 $0xffff, v21  }
0x103: {  	v21 =	vmov s28  }
0x104: {  	v21 =	vand.u32 $0xFFFFFFFE, v21  }
0x105: {  	v21 =	vbroadcast v21, $0x0;
	_ =	sdelay $0x2  }
0x106: {  	v22, _, _ =	vpop (xrf0)  }
0x107: {  	v22 =	vbroadcast v22, $0xF;
	_ =	sdelay $0x1  }
0x108: {  	[tilespmem:v21+s21+$0x0] =	vst.idx.msk $0x1, v22  }
0x109: {  	v21 =	vld [tilespmem:s0+$0x10];
	_ =	sdelay $0x4  }
0x10a: {  	(xrf0) =	vmax.scan.msk.f32 $0xffff, v21;
	_ =	sdelay $0x2  }
0x10b: {  	s29 =	simm.s32 $0x3  }
0x10c: {  	v21 =	vmov s29;
	_ =	sdelay $0x1  }
0x10d: {  	v22, _, _ =	vpop (xrf0)  }
0x10e: {  	s31 =	simm.s32 $0x7;
	v22 =	vbroadcast v22, $0xF  }
.LBB2_5:
0x10f: {  	p0 =	sne.s32 s31, $0x4F  }
0x110: {  	s0 =	sadd.s32 $0x40, s0;
	s1 =	smov.u32 s31;
	s31 =	sadd.s32 $0x4, s31;
	[tilespmem:v21+s21+$0x0] =	vst.idx.msk $0x1, v22  }
0x111: {  	v21 =	vld [tilespmem:s0+$0xFFFFFFE0];
	_ =	sdelay $0x4  }
0x112: {  	s2 =	sadd.s32 $0xFFFFFFFD, s1;
	(xrf0) =	vmax.scan.msk.f32 $0xffff, v21  }
0x113: {  	v21 =	vmov s2  }
0x114: {  	v21 =	vand.u32 $0xFFFFFFFC, v21  }
0x115: {  	v21 =	vbroadcast v21, $0x0;
	_ =	sdelay $0x2  }
0x116: {  	v22, _, _ =	vpop (xrf0)  }
0x117: {  	v22 =	vbroadcast v22, $0xF;
	_ =	sdelay $0x1  }
0x118: {  	[tilespmem:v21+s21+$0x0] =	vst.idx.msk $0x1, v22  }
0x119: {  	v21 =	vld [tilespmem:s0+$0xFFFFFFF0];
	_ =	sdelay $0x4  }
0x11a: {  	s2 =	sadd.s32 $0xFFFFFFFE, s1;
	(xrf0) =	vmax.scan.msk.f32 $0xffff, v21  }
0x11b: {  	v21 =	vmov s2  }
0x11c: {  	v21 =	vand.u32 $0xFFFFFFFD, v21  }
0x11d: {  	v21 =	vbroadcast v21, $0x0;
	_ =	sdelay $0x2  }
0x11e: {  	v22, _, _ =	vpop (xrf0)  }
0x11f: {  	v22 =	vbroadcast v22, $0xF;
	_ =	sdelay $0x1  }
0x120: {  	[tilespmem:v21+s21+$0x0] =	vst.idx.msk $0x1, v22  }
0x121: {  	v21 =	vld [tilespmem:s0+$0x0];
	_ =	sdelay $0x4  }
0x122: {  	s2 =	sadd.s32 $0xFFFFFFFF, s1;
	(xrf0) =	vmax.scan.msk.f32 $0xffff, v21  }
0x123: {  	v21 =	vmov s2  }
0x124: {  	v21 =	vand.u32 $0xFFFFFFFE, v21  }
0x125: {  	v21 =	vbroadcast v21, $0x0;
	_ =	sdelay $0x2  }
0x126: {  	v22, _, _ =	vpop (xrf0)  }
0x127: {  	v22 =	vbroadcast v22, $0xF;
	_ =	sdelay $0x1  }
0x128: {  	[tilespmem:v21+s21+$0x0] =	vst.idx.msk $0x1, v22  }
0x129: {  	v21 =	vld [tilespmem:s0+$0x10];
	_ =	sdelay $0x4  }
0x12a: {  	(xrf0) =	vmax.scan.msk.f32 $0xffff, v21;
	_ =	sdelay $0x2  }
.Ltmp4:
0x12b: {  	(pc) =	sbr.rel @p0 .LBB2_5-.Ltmp4, $3  }
0x12c: {  	v21 =	vmov s1;
	_ =	sdelay $0x1  }
0x12d: {  	v22, _, _ =	vpop (xrf0)  }
0x12e: {  	v22 =	vbroadcast v22, $0xF  }
0x12f: {  	_ =	sdelay $0x3  }
0x130: {  	[tilespmem:v21+s21+$0x0] =	vst.idx.msk $0x1, v22  }
0x131: {  	_ =	swait.ge [sflag:s22], $0x5000  }
0x132: {  	[sflag:s22] =	ssyncset.done $0x0  }
0x133: {  	[sflag:s22] =	ssyncadd.s32 $0xFFFFB000  }
0x134: {  	_ =	swait.ge [sflag:s22], $0x5000  }
0x135: {  	[sflag:s22] =	ssyncset.done $0x0  }
0x136: {  	[sflag:s22] =	ssyncadd.s32 $0xFFFFB000  }
0x137: {  	_ =	swait.ge [sflag:s22], $0x5000  }
.Ltmp5:
0x138: {  	[sflag:s22] =	ssyncset.done $0x0;
	(pc) =	sbr.rel .LBB2_7-.Ltmp5, $4  }
0x139: {  	[sflag:s22] =	ssyncadd.s32 $0xFFFFB000  }
0x13a: {  	_ =	swait.ge [sflag:s22], $0x5000  }
0x13b: {  	[sflag:s22] =	ssyncset.done $0x0  }
0x13c: {  	s31 =	simm.s32 $0x0;
	[sflag:s22] =	ssyncadd.s32 $0xFFFFB000  }
.LBB2_9:
0x13d: {  	v38 =	vmov v30;
	v37 =	vimm.s32 $0x0  }
.LBB2_20:
0x13e: {  	v41 =	vmul.f32 @p0 v42, v41  }
0x13f: {  	v38 =	vmax.f32 v24, v38;
	v27 =	vmin.f32 v23, v27;
	v29 =	vmin.f32 v21, v29  }
0x140: {  	v27 =	vsub.f32 v27, v31;
	v29 =	vsub.f32 v29, v38  }
0x141: {  	v31 =	vsub.f32 @p0 v32, v41  }
0x142: {  	v27 =	vmax.f32 v27, $0.0e+00;
	v29 =	vmax.f32 v29, $0.0e+00  }
0x143: {  	v28 =	vadd.f32 v28, v22;
	v31 =	vadd.f32 @p0 $9.999999930e-09, v31;
	v27 =	vmul.f32 v29, v27  }
0x144: {  	(erf) = vrcp.f32 @p1 v36  }
0x145: {  	v29 =	vpsel p0, v31, v34;
	v28 =	vsub.f32 v28, v27  }
0x146: {  	(erf) = vrcp.f32 @p0 v29  }
0x147: {  	v28 =	vadd.f32 $9.999999930e-09, v28;
	_ =	sdelay $0x1  }
0x148: {  	(erf) = vrcp.f32 v28;
	_ =	sdelay $0x1  }
0x149: {  	v28 =	vpop @p2 (erf)  }
0x14a: {  	vm1 =	vgt.f32 @p3 v39, $6.999999880e-01;
	v31 =	vmovc @p0 v41;
	v29 =	vmov @p1 v35;
	v28 =	vmul.f32 @p2 v28, v40  }
0x14b: {  	v34 =	vsel @p3 vm1, $0x1, v20;
	v62 =	vpsel p0, v31, v33;
	v29 =	vpsel p1, v29, v30;
	v32 =	vpop @p1 (erf)  }
0x14c: {  	v31 =	vor.u32 @p3 v34, v37;
	v29 =	vmul.f32 @p1 v32, v29;
	v28 =	vpsel p2, v28, v0  }
0x14d: {  	v31 =	vpsel p3, v31, v26;
	v30 =	vpop @p0 (erf);
	vm1 =	vgt.f32 @p2 v28, $6.999999880e-01;
	v28 =	vpsel p0, v62, v0  }
0x14e: {  	v29 =	vpsel p1, v29, v0;
	v32 =	vsel @p2 vm1, $0x1, v20;
	v28 =	vmul.f32 @p0 v30, v28  }
0x14f: {  	vm1 =	vgt.f32 @p1 v29, $6.999999880e-01;
	v30 =	vor.u32 @p2 v32, v31  }
0x150: {  	v29 =	vpsel p2, v30, v26;
	v30 =	vsel @p1 vm1, $0x1, v20;
	v28 =	vpsel p0, v28, v0;
	v63 =	vpop (erf)  }
0x151: {  	v29 =	vor.u32 @p1 v30, v29;
	vm1 =	vgt.f32 @p0 v28, $6.999999880e-01;
	v27 =	vmul.f32 v63, v27  }
0x152: {  	v28 =	vpsel p1, v29, v26;
	v29 =	vsel @p0 vm1, $0x1, v20  }
0x153: {  	v28 =	vor.u32 @p0 v29, v28;
	vm1 =	vgt.f32 v27, $6.999999880e-01  }
0x154: {  	v26 =	vpsel p0, v28, v26;
	v27 =	vsel vm1, $0x1, v20  }
0x155: {  	v26 =	vor.u32 v27, v26  }
0x156: {  	vm1 =	vgt.s32 v26, $0x0  }
.LBB2_21:
0x157: {  	v26 =	vmpcnt.ones.xlane vm1;
	_ =	sdelay $0x1  }
0x158: {  	(v2sf) =	vpush v26, $0x0;
	_ =	sdelay $0xe  }
0x159: {  	p0 =	sgt.f32 s0, $-Inf;
	s1 =	spop (v2sf)  }
0x15a: {  	p1 =	seq.s32 s1, $0x0  }
0x15b: {  	p0 =	por !p0, !p1  }
0x15c: {  	s1 =	simm.s32 $0x1;
	p0 =	por !p0, !p0  }
0x15d: {  	s1 =	simm.s32 @!p0 $0x0  }
0x15e: {  	v26 =	vmov @p0 s31;
	s31 =	sadd.s32 s1, s31  }
0x15f: {  	p1 =	sgt.u32 s31, $0xC7  }
0x160: {  	p2 =	sgt.f32 @!p1 s0, $-Inf  }
0x161: {  	v25 =	vbroadcast @p0 v25, $0x0  }
0x162: {  	v24 =	vbroadcast @p0 v24, $0x0;
	s1 =	simm.s32 @p0 $0x19580;
	p1 =	por p1, !p2  }
.Ltmp6:
0x163: {  	v23 =	vbroadcast @p0 v23, $0x0;
	[tilespmem:v26+s1+$0x0] =	vst.idx.msk @p0 $0x1, v25;
	s1 =	simm.s32 @p0 $0x19680;
	(pc) =	sbr.rel @p1 .LBB2_22-.Ltmp6, $4  }
0x164: {  	v21 =	vbroadcast @p0 v21, $0x0;
	[tilespmem:v26+s1+$0x0] =	vst.idx.msk @p0 $0x1, v24;
	s1 =	simm.s32 @p0 $0x19780  }
0x165: {  	v22 =	vbroadcast @p0 v22, $0x0;
	s0 =	simm.s32 @p0 $0x19880;
	[tilespmem:v26+s1+$0x0] =	vst.idx.msk @p0 $0x1, v23  }
0x166: {  	[tilespmem:v26+s0+$0x0] =	vst.idx.msk @p0 $0x1, v21;
	s0 =	simm.s32 @p0 $0x19980  }
0x167: {  	[tilespmem:v26+s0+$0x0] =	vst.idx.msk @p0 $0x1, v22  }
.LBB2_7:
0x168: {  	v21 =	vld [tilespmem:$0x19500]  }
0x169: {  	v22 =	vld [tilespmem:$0x19510]  }
0x16a: {  	v23 =	vld [tilespmem:$0x19520]  }
0x16b: {  	v24 =	vld [tilespmem:$0x19530]  }
0x16c: {  	v25 =	vld [tilespmem:$0x19540];
	_ =	sdelay $0x1  }
0x16d: {  	v26 =	vmax.f32 v21, v22  }
0x16e: {  	v26 =	vmax.f32 v26, v23  }
0x16f: {  	v26 =	vmax.f32 v26, v24  }
0x170: {  	v26 =	vmax.f32 v26, v25  }
0x171: {  	(xrf0) =	vmax.scan.msk.f32 $0xffff, v26;
	_ =	sdelay $0x5  }
0x172: {  	v26, _, _ =	vpop (xrf0)  }
0x173: {  	v27 =	vbroadcast v26, $0xF;
	_ =	sdelay $0x1  }
0x174: {  	vm1 =	veq.f32 v25, v27  }
0x175: {  	vm2 =	veq.f32 v24, v27;
	v24 =	vnsel vm1, $0xC0000000, v2  }
0x176: {  	vm1 =	veq.f32 v23, v27;
	v24 =	vsel vm2, v3, v24  }
0x177: {  	vm2 =	veq.f32 v22, v27;
	v22 =	vsel vm1, v4, v24  }
0x178: {  	vm1 =	veq.f32 v21, v27;
	v21 =	vsel vm2, v5, v22  }
0x179: {  	v21 =	vsel vm1, v6, v21  }
0x17a: {  	(xrf0) =	vmin.scan.msk.u32 $0xffff, v21;
	_ =	sdelay $0x5  }
0x17b: {  	(v2sf) =	vpush v26, $0xF;
	v21, _, _ =	vpop (xrf0)  }
0x17c: {  	(v2sf) =	vpush v21, $0xF;
	_ =	sdelay $0xd  }
0x17d: {  	s0 =	spop (v2sf)  }
0x17e: {  	s1 =	spop (v2sf)  }
0x17f: {  	s2 =	sshll.u32 s1, $0x4  }
0x180: {  	v21 =	vld [tilespmem:s2+$0x19000];
	_ =	sdelay $0x4  }
0x181: {  	vm1 =	veq.f32 v21, v27  }
0x182: {  	v22 =	vmctz.xlane vm1;
	_ =	sdelay $0x1  }
0x183: {  	(v2sf) =	vpush v22, $0x0;
	_ =	sdelay $0xe  }
0x184: {  	s24 =	spop (v2sf)  }
0x185: {  	s2 =	sadd.s32 s24, s2  }
0x186: {  	s24 =	sshll.u32 s2, $0x4  }
0x187: {  	v23 =	vld [tilespmem:s24+$0x0];
	_ =	sdelay $0x4  }
0x188: {  	vm1 =	veq.f32 v23, v27  }
0x189: {  	v24 =	vmctz.xlane vm1;
	_ =	sdelay $0x1  }
0x18a: {  	vm1 =	veq.s32 v24, v0  }
0x18b: {  	v23 =	vsel vm1, $0xFF800000, v23  }
0x18c: {  	(xrf0) =	vmax.scan.msk.f32 $0xffff, v23;
	_ =	sdelay $0x5  }
0x18d: {  	v25, _, _ =	vpop (xrf0)  }
0x18e: {  	v25 =	vbroadcast v25, $0xF  }
0x18f: {  	vm1 =	veq.s32 v22, v0  }
0x190: {  	v21 =	vsel vm1, v25, v21  }
0x191: {  	(xrf0) =	vmax.scan.msk.f32 $0xffff, v21;
	_ =	sdelay $0x2  }
0x192: {  	s1 =	sxor.u32 $0x80000000, s1;
	v21 =	vmov s2  }
0x193: {  	v22 =	vmov s1  }
0x194: {  	v26 =	vadd.s32 s24, v24  }
0x195: {  	v24, _, _ =	vpop (xrf0)  }
0x196: {  	[tilespmem:s24+$0x0] =	vst v23;
	v23 =	vbroadcast v24, $0xF  }
0x197: {  	[tilespmem:v21+s20+$0x0] =	vst.idx.msk $0x1, v25  }
0x198: {  	[tilespmem:v22+s21+$0x0] =	vst.idx.msk $0x1, v23  }
0x199: {  	v25 =	vld.idx.msk [tilespmem:v26+s15+$0x0], $0xffff  }
0x19a: {  	v24 =	vld.idx.msk [tilespmem:v26+s16+$0x0], $0xffff  }
0x19b: {  	v23 =	vld.idx.msk [tilespmem:v26+s17+$0x0], $0xffff  }
0x19c: {  	s29 =	sadd.s32 $0xF, s31;
	v21 =	vld.idx.msk [tilespmem:v26+s18+$0x0], $0xffff  }
0x19d: {  	s1 =	sshrl.u32 s29, $0x4  }
0x19e: {  	p0 =	seq.s32 s1, $0x0  }
.Ltmp7:
0x19f: {  	_ = 	snop;
	(pc) =	sbr.rel @p0 .LBB2_21-.Ltmp7, $3  }
0x1a0: {  	_ = 	snop  }
0x1a1: {  	v22 =	vsub.f32 v23, v25;
	v26 =	vsub.f32 v21, v24;
	_ =	sdelay $0x1  }
0x1a2: {  	vm1 =	vmmov vm0;
	v22 =	vmul.f32 v26, v22  }
0x1a3: {  	s2 =	simm.s32 $0x19580  }
0x1a4: {  	s28 =	simm.s32 $0x19680;
	v31 =	vld [tilespmem:s2+$0x0]  }
0x1a5: {  	s24 =	simm.s32 $0x19780;
	p4 =	sne.s32 s1, $0x1;
	v30 =	vld [tilespmem:s28+$0x0]  }
.Ltmp8:
0x1a6: {  	s29 =	simm.s32 $0x19880;
	v27 =	vld [tilespmem:s24+$0x0];
	(pc) =	sbr.rel @!p4 .LBB2_9-.Ltmp8, $4  }
0x1a7: {  	v29 =	vld [tilespmem:s29+$0x0]  }
0x1a8: {  	s26 =	simm.s32 $0x19980  }
0x1a9: {  	s1 =	sadd.s32 $0xFFFFFFFF, s1;
	p0 =	por $0x0, $0x0;
	p1 =	por $0x0, $0x0  }
0x1aa: {  	v26 =	vimm.s32 $0x0;
	p2 =	por $0x0, $0x0;
	p3 =	por $0x0, $0x0;
	s2 =	simm.s32 $0x19590;
	v28 =	vld [tilespmem:s26+$0x0];
	v31 =	vmax.f32 v25, v31  }
0x1ab: {  	v33 =	vld [tilespmem:s2+$0x0];
	s24 =	simm.s32 $0x19690  }
0x1ac: {  	s26 =	simm.s32 $0x19790;
	p4 =	sne.s32 s1, $0x1;
	v38 =	vld [tilespmem:s24+$0x0]  }
.Ltmp9:
0x1ad: {  	v30 =	vmax.f32 v24, v30;
	v32 =	vmin.f32 v23, v27;
	s28 =	simm.s32 $0x19890;
	v29 =	vmin.f32 v21, v29;
	v27 =	vld [tilespmem:s26+$0x0];
	(pc) =	sbr.rel @!p4 .LBB2_11-.Ltmp9, $3  }
0x1ae: {  	v34 =	vsub.f32 v32, v31;
	v30 =	vsub.f32 v29, v30;
	v29 =	vld [tilespmem:s28+$0x0];
	_ =	sdelay $0x1  }
0x1af: {  	s29 =	simm.s32 $0x19990;
	v41 =	vmax.f32 v34, $0.0e+00  }
0x1b0: {  	s1 =	sadd.s32 $0xFFFFFFFF, s1;
	s2 =	simm.s32 $0x195A0;
	p0 =	por $0x1, $0x1;
	v32 =	vadd.f32 v28, v22;
	v28 =	vld [tilespmem:s29+$0x0];
	v42 =	vmax.f32 v30, $0.0e+00;
	v31 =	vmax.f32 v25, v33  }
0x1b1: {  	v33 =	vld [tilespmem:s2+$0x0];
	s24 =	simm.s32 $0x196A0  }
0x1b2: {  	v34 =	vmax.f32 v24, v38;
	s26 =	simm.s32 $0x197A0;
	p4 =	sne.s32 s1, $0x1;
	v38 =	vld [tilespmem:s24+$0x0]  }
.Ltmp10:
0x1b3: {  	v30 =	vmul.f32 v42, v41;
	v35 =	vmin.f32 v23, v27;
	s28 =	simm.s32 $0x198A0;
	v29 =	vmin.f32 v21, v29;
	v27 =	vld [tilespmem:s26+$0x0];
	(pc) =	sbr.rel @!p4 .LBB2_13-.Ltmp10, $4  }
0x1b4: {  	v35 =	vsub.f32 v35, v31;
	v34 =	vsub.f32 v29, v34;
	v29 =	vld [tilespmem:s28+$0x0]  }
0x1b5: {  	v36 =	vsub.f32 v32, v30  }
0x1b6: {  	s29 =	simm.s32 $0x199A0;
	v41 =	vmax.f32 v35, $0.0e+00;
	v32 =	vadd.f32 v28, v22  }
0x1b7: {  	s1 =	sadd.s32 $0xFFFFFFFF, s1;
	s2 =	simm.s32 $0x195B0;
	p1 =	por $0x1, $0x1;
	v36 =	vadd.f32 $9.999999930e-09, v36;
	v28 =	vld [tilespmem:s29+$0x0];
	v42 =	vmax.f32 v34, $0.0e+00;
	v31 =	vmax.f32 v25, v33  }
0x1b8: {  	v35 =	vld [tilespmem:s2+$0x0];
	s26 =	simm.s32 $0x196B0  }
0x1b9: {  	v34 =	vmax.f32 v24, v38;
	s28 =	simm.s32 $0x197B0;
	p4 =	sne.s32 s1, $0x1;
	v38 =	vld [tilespmem:s26+$0x0]  }
.Ltmp11:
0x1ba: {  	v33 =	vmul.f32 v42, v41;
	v37 =	vmin.f32 v23, v27;
	s29 =	simm.s32 $0x198B0;
	v29 =	vmin.f32 v21, v29;
	v27 =	vld [tilespmem:s28+$0x0];
	(pc) =	sbr.rel @!p4 .LBB2_15-.Ltmp11, $4  }
0x1bb: {  	v37 =	vsub.f32 v37, v31;
	v40 =	vsub.f32 v29, v34;
	v29 =	vld [tilespmem:s29+$0x0]  }
0x1bc: {  	v39 =	vsub.f32 v32, v33  }
0x1bd: {  	s24 =	simm.s32 $0x199B0;
	(erf) = vrcp.f32 v36;
	v41 =	vmax.f32 v37, $0.0e+00;
	v32 =	vadd.f32 v28, v22  }
0x1be: {  	s2 =	sadd.s32 $0xFFFFFFFF, s1;
	s1 =	simm.s32 $0x195C0;
	p2 =	por $0x1, $0x1;
	v34 =	vadd.f32 $9.999999930e-09, v39;
	v28 =	vld [tilespmem:s24+$0x0];
	v42 =	vmax.f32 v40, $0.0e+00;
	v31 =	vmax.f32 v25, v35  }
0x1bf: {  	_ =	sdelay $0x2  }
0x1c0: {  	v37 =	vld [tilespmem:s1+$0x0];
	v35 =	vmul.f32 v42, v41;
	s1 =	simm.s32 $0x196C0  }
0x1c1: {  	v36 =	vmax.f32 v24, v38;
	v27 =	vmin.f32 v23, v27;
	s24 =	simm.s32 $0x197C0;
	p4 =	sne.s32 s2, $0x1;
	v38 =	vld [tilespmem:s1+$0x0];
	(erf) = vrcp.f32 v34  }
.Ltmp12:
0x1c2: {  	s26 =	simm.s32 $0x198C0;
	v29 =	vmin.f32 v21, v29;
	v40 =	vsub.f32 v27, v31;
	v27 =	vld [tilespmem:s24+$0x0];
	(pc) =	sbr.rel @!p4 .LBB2_17-.Ltmp12, $4  }
0x1c3: {  	v39 =	vsub.f32 v32, v35;
	v63 =	vsub.f32 v29, v36;
	v29 =	vld [tilespmem:s26+$0x0]  }
0x1c4: {  	v41 =	vmax.f32 v40, $0.0e+00;
	v31 =	vpop (erf)  }
0x1c5: {  	s28 =	simm.s32 $0x199C0;
	v32 =	vadd.f32 v28, v22;
	v36 =	vadd.f32 $9.999999930e-09, v39;
	v39 =	vmul.f32 v31, v30  }
0x1c6: {  	s29 =	sadd.s32 $0xFFFFFFFF, s2;
	s2 =	simm.s32 $0x195D0;
	p3 =	por $0x1, $0x1;
	v28 =	vld [tilespmem:s28+$0x0];
	v42 =	vmax.f32 v63, $0.0e+00;
	v40 =	vmovc v33;
	v31 =	vmax.f32 v25, v37;
	v37 =	vimm.s32 $0x0  }
.LBB2_18:
0x1c7: {  	v43 =	vld [tilespmem:s2+$0x0];
	s1 =	sadd.s32 $0x10, s1;
	v41 =	vmul.f32 v42, v41;
	(erf) = vrcp.f32 v36;
	vm1 =	vgt.f32 v39, $6.999999880e-01;
	p4 =	sne.s32 s29, $0x1  }
.Ltmp13:
0x1c8: {  	v36 =	vmax.f32 v24, v38;
	s24 =	sadd.s32 $0x10, s24;
	v38 =	vld [tilespmem:s1+$0x0];
	v39 =	vmin.f32 v23, v27;
	v42 =	vsel vm1, $0x1, v20;
	(pc) =	sbr.rel @p4 .LBB2_18-.Ltmp13, $4  }
0x1c9: {  	s26 =	sadd.s32 $0x10, s26;
	v27 =	vld [tilespmem:s24+$0x0];
	v44 =	vmin.f32 v21, v29;
	v45 =	vsub.f32 v32, v41;
	v37 =	vor.u32 v42, v37  }
0x1ca: {  	s29 =	sadd.s32 $0xFFFFFFFF, s29;
	v42 =	vsub.f32 v39, v31;
	v29 =	vld [tilespmem:s26+$0x0];
	v44 =	vsub.f32 v44, v36;
	v31 =	vpop (erf)  }
0x1cb: {  	s28 =	sadd.s32 $0x10, s28;
	v32 =	vadd.f32 v28, v22;
	v36 =	vadd.f32 $9.999999930e-09, v45;
	v39 =	vmul.f32 v31, v40;
	v40 =	vmovc v35;
	v35 =	vmovc v41  }
0x1cc: {  	s2 =	sadd.s32 $0x10, s2;
	v41 =	vmax.f32 v42, $0.0e+00;
	v28 =	vld [tilespmem:s28+$0x0];
	v31 =	vmax.f32 v25, v43;
	v42 =	vmax.f32 v44, $0.0e+00  }
.Ltmp14:
0x1cd: {  	(pc) =	sbr.rel .LBB2_20-.Ltmp14, $1  }
0x1ce: {  	_ =	sdelay $0x3  }
.LBB2_11:
.Ltmp15:
0x1cf: {  	(pc) =	sbr.rel .LBB2_20-.Ltmp15, $2  }
0x1d0: {  	_ =	sdelay $0x2  }
0x1d1: {  	v37 =	vimm.s32 $0x0  }
.LBB2_13:
.Ltmp16:
0x1d2: {  	(pc) =	sbr.rel .LBB2_20-.Ltmp16, $2  }
0x1d3: {  	_ =	sdelay $0x2  }
0x1d4: {  	v35 =	vmov v30;
	v37 =	vimm.s32 $0x0  }
.LBB2_15:
.Ltmp17:
0x1d5: {  	(pc) =	sbr.rel .LBB2_20-.Ltmp17, $2  }
0x1d6: {  	_ =	sdelay $0x2  }
0x1d7: {  	v37 =	vimm.s32 $0x0;
	v40 =	vmovc v30;
	v35 =	vmov v33;
	v36 =	vmov v34  }
.LBB2_17:
.Ltmp18:
0x1d8: {  	(pc) =	sbr.rel .LBB2_20-.Ltmp18, $2  }
0x1d9: {  	_ =	sdelay $0x2  }
0x1da: {  	v37 =	vimm.s32 $0x0;
	v40 =	vmov v33  }
.LBB2_23:
0x1db: {  	_ =	sfence.sel $0x180000  }
0x1dc: {  	[bflag:$0x0] =	sbarrier.arrive $0xFFFF  }
0x1dd: {  	_ =	strace $0x90000047  }
0x1de: {  	s0 =	stileid.u32;
	[bflag:$0x2] =	sbarrier.arrive $0xFFFF  }
0x1df: {  	p0 =	sne.s32 s0, $0x0;
	s0 =	rddreg [dreg:$0x1]  }
0x1e0: {  	s0 =	sadd.s32 @!p0 $0x100000, s0  }
0x1e1: {  	[sflag:s0] =	ssyncadd.tile.s32 @!p0 $0x1;
	_ =	shalt  }
.Lfunc_end2:
_tile_overlayer_lowered:
.L_overlay_start_2:
0x1e2: {  	(tag) =	ssettag $0x2  }
0x1e3: {  	s0 =	rddreg [dreg:$0x0];
	s2 =	stileid.u32  }
0x1e4: {  	s1 =	rddreg [dreg:$0x1];
	p0 =	sne.s32 s2, $0x0  }
0x1e5: {  	s3 =	rddreg [dreg:$0x2];
	[bflag:$0x3] =	sbarrier.arrive $0xFFFF;
	s2 =	simm.s32 @!p0 $0x1C03  }
0x1e6: {  	[timem:s3], [sflag:s2] =	dma.local @!p0 [hbm:s0], s1  }
0x1e7: {  	s0 =	simm.s32 @!p0 $0x3  }
0x1e8: {  	_ =	swait.ge @!p0 [sflag:s0], s1  }
0x1e9: {  	s1 =	ssub.s32 @!p0 $0x0, s1;
	[sflag:s0] =	ssyncset.done @!p0 $0x0  }
0x1ea: {  	[sflag:s0] =	ssyncadd.s32 @!p0 s1  }
0x1eb: {  	[bflag:$0x3] =	sbarrier.arrive $0xFFFF  }
0x1ec: {  	_ =	shalt  }

</sc_bundles>
